<compile_context>
chip_gen: v7x
topology: tpu7x:2x2x1
jax: 0.10.2.dev20260603
libtpu: 0.0.44.dev20260713+nightly
codegen_flags: <defaults>
</compile_context>

<pallas_src>
import jax
import jax.numpy as jnp
from jax import lax
from jax.experimental import pallas as pl
from jax.experimental.pallas import tpu as pltpu
from jax.experimental.pallas import tpu_sc as plsc

N = 10000
E = 160000
D = 256
HALF = 128
CLS = 16
NC = 2
NS = 16
L = 16

NPAD = 10240
CK = 128
CH1 = 80
EPAD = NS * CH1 * CK
CH2 = EPAD // (NC * NS) // CK
NACC = 10240
RPT = NACC // NS

BN = 1024
NB = NPAD // BN


def _mesh():
    return plsc.VectorSubcoreMesh(core_axis_name="c", subcore_axis_name="s")


def _deg_body(dst_hbm, degp_hbm, idxv, dloc2):
    c = lax.axis_index("c")
    s = lax.axis_index("s")
    pltpu.sync_copy(dst_hbm.at[c, s], idxv)
    zeros16 = jnp.zeros((L,), jnp.float32)

    def zero_body(i, carry):
        dloc2[i // 8, pl.ds((i % 8) * L, L)] = zeros16
        return carry

    lax.fori_loop(0, NPAD // L, zero_body, 0)
    ones16 = jnp.ones((L,), jnp.float32)
    KV = CK // L

    def hist_body(i, carry):
        j = i // KV
        k = i % KV
        idx = idxv[j, pl.ds(k * L, L)]
        plsc.addupdate_scatter(dloc2, [idx >> 7, idx & 127], ones16)
        return carry

    lax.fori_loop(0, CH2 * KV, hist_body, 0)
    pltpu.sync_copy(dloc2, degp_hbm.at[c, s])


def _deg_call(dst2):
    return pl.kernel(
        _deg_body,
        out_type=jax.ShapeDtypeStruct((NC, NS, NPAD // 128, 128), jnp.float32),
        mesh=_mesh(),
        compiler_params=pltpu.CompilerParams(needs_layout_passes=False),
        scratch_types=[
            pltpu.VMEM((CH2, CK), jnp.int32),
            pltpu.VMEM((NPAD // 128, 128), jnp.float32),
        ],
    )(dst2)


def _g1_body(x_ref, w1_ref, dinv_ref, g_ref):
    dinv = dinv_ref[...]
    h = jnp.dot(x_ref[...].astype(jnp.bfloat16), w1_ref[...].astype(jnp.bfloat16),
                preferred_element_type=jnp.float32)
    g = h * dinv
    g_ref[0] = g[:, :HALF]
    g_ref[1] = g[:, HALF:]


def _g1_call(x_pad, W1, dinv):
    return pl.pallas_call(
        _g1_body,
        grid=(NB,),
        in_specs=[
            pl.BlockSpec((BN, D), lambda i: (i, 0)),
            pl.BlockSpec((D, D), lambda i: (0, 0)),
            pl.BlockSpec((BN, 1), lambda i: (i, 0)),
        ],
        out_specs=pl.BlockSpec((NC, BN, HALF), lambda i: (0, i, 0)),
        out_shape=jax.ShapeDtypeStruct((NC, NPAD, HALF), jnp.float32),
    )(x_pad, W1, dinv)


GROUP = 16
NGRP = CH1 // GROUP


def _zero_tile_share(buf, acc, s, width):
    zeros16 = jnp.zeros((L,), jnp.float32)
    kv = width // L

    def zb(i, carry):
        buf[i // kv, pl.ds((i % kv) * L, L)] = zeros16
        return carry

    lax.fori_loop(0, CK * kv, zb, 0)
    for q in range(RPT // CK):
        pltpu.sync_copy(buf, acc.at[pl.ds(s * RPT + q * CK, CK)])


def _edge_pass(g_hbm, acc, srcv, dstv, r0, r1, sem0, sem1, nch):
    pltpu.async_copy(g_hbm.at[srcv.at[0]], r0, sem0)

    def step(j2, carry):
        j = j2 * 2
        pltpu.make_async_copy(g_hbm.at[srcv.at[j]], r0, sem0).wait()
        pltpu.async_copy(g_hbm.at[srcv.at[j + 1]], r1, sem1)
        pltpu.sync_copy(r0, acc.at[dstv.at[j]], add=True)
        pltpu.make_async_copy(g_hbm.at[srcv.at[j + 1]], r1, sem1).wait()

        @pl.when(j + 2 < nch)
        def _():
            pltpu.async_copy(g_hbm.at[srcv.at[j + 2]], r0, sem0)

        pltpu.sync_copy(r1, acc.at[dstv.at[j + 1]], add=True)
        return carry

    lax.fori_loop(0, nch // 2, step, 0)


def _scat1_body(g_hbm, src_hbm, dst_hbm, out_hbm,
                srcv, dstv, r0, r1, acc, sem0, sem1):
    c = lax.axis_index("c")
    s = lax.axis_index("s")
    _zero_tile_share(r0, acc, s, HALF)
    plsc.subcore_barrier()

    def group(gi, carry):
        pltpu.sync_copy(src_hbm.at[c, s, pl.ds(gi * GROUP, GROUP)], srcv)
        pltpu.sync_copy(dst_hbm.at[s, pl.ds(gi * GROUP, GROUP)], dstv)
        _edge_pass(g_hbm, acc, srcv, dstv, r0, r1, sem0, sem1, GROUP)
        return carry

    lax.fori_loop(0, NGRP, group, 0)
    plsc.subcore_barrier()
    pltpu.sync_copy(acc.at[pl.ds(s * RPT, RPT)],
                    out_hbm.at[c, pl.ds(s * RPT, RPT)])


def _scat1_call(g_flat, src1o, dst1):
    return pl.kernel(
        _scat1_body,
        out_type=jax.ShapeDtypeStruct((NC, NPAD, HALF), jnp.float32),
        mesh=_mesh(),
        scratch_types=[
            pltpu.VMEM((GROUP, CK), jnp.int32),
            pltpu.VMEM((GROUP, CK), jnp.int32),
            pltpu.VMEM((CK, HALF), jnp.float32),
            pltpu.VMEM((CK, HALF), jnp.float32),
            pltpu.VMEM_SHARED((NACC, HALF), jnp.float32),
            pltpu.SemaphoreType.DMA,
            pltpu.SemaphoreType.DMA,
        ],
    )(g_flat, src1o, dst1)


def _h2_body(scat_ref, ga_ref, gb_ref, dinv_ref, b1_ref, w2_ref, g2_ref):
    sc = scat_ref[...]
    h = jnp.concatenate([sc[0] + ga_ref[...], sc[1] + gb_ref[...]], axis=1)
    dinv = dinv_ref[...]
    o1 = jnp.maximum(h * dinv + b1_ref[...], 0.0)
    g2_ref[...] = jnp.dot(o1, w2_ref[...], preferred_element_type=jnp.float32) * dinv


def _h2_call(scat, g_flat, dinv, b1r, W2):
    return pl.pallas_call(
        _h2_body,
        grid=(NB,),
        in_specs=[
            pl.BlockSpec((NC, BN, HALF), lambda i: (0, i, 0)),
            pl.BlockSpec((BN, HALF), lambda i: (i, 0)),
            pl.BlockSpec((BN, HALF), lambda i: (NB + i, 0)),
            pl.BlockSpec((BN, 1), lambda i: (i, 0)),
            pl.BlockSpec((1, D), lambda i: (0, 0)),
            pl.BlockSpec((D, CLS), lambda i: (0, 0)),
        ],
        out_specs=pl.BlockSpec((BN, CLS), lambda i: (i, 0)),
        out_shape=jax.ShapeDtypeStruct((NPAD, CLS), jnp.float32),
    )(scat, g_flat, g_flat, dinv, b1r, W2)


def _scat2_body(g2_hbm, src_hbm, dst_hbm, out_hbm,
                srcv, dstv, r0, r1, acc, sem0, sem1):
    c = lax.axis_index("c")
    s = lax.axis_index("s")
    _zero_tile_share(r0, acc, s, CLS)
    pltpu.sync_copy(src_hbm.at[c, s], srcv)
    pltpu.sync_copy(dst_hbm.at[c, s], dstv)
    plsc.subcore_barrier()
    _edge_pass(g2_hbm, acc, srcv, dstv, r0, r1, sem0, sem1, CH2)
    plsc.subcore_barrier()
    pltpu.sync_copy(acc.at[pl.ds(s * RPT, RPT)],
                    out_hbm.at[c, pl.ds(s * RPT, RPT)])


def _scat2_call(g2, src2, dst2):
    return pl.kernel(
        _scat2_body,
        out_type=jax.ShapeDtypeStruct((NC, NPAD, CLS), jnp.float32),
        mesh=_mesh(),
        compiler_params=pltpu.CompilerParams(use_tc_tiling_on_sc=False),
        scratch_types=[
            pltpu.VMEM((CH2, CK), jnp.int32),
            pltpu.VMEM((CH2, CK), jnp.int32),
            pltpu.VMEM((CK, CLS), jnp.float32),
            pltpu.VMEM((CK, CLS), jnp.float32),
            pltpu.VMEM_SHARED((NACC, CLS), jnp.float32),
            pltpu.SemaphoreType.DMA,
            pltpu.SemaphoreType.DMA,
        ],
    )(g2, src2, dst2)


def _fin_body(p2_ref, g2_ref, dinv_ref, b2_ref, out_ref):
    agg = jnp.sum(p2_ref[...], axis=0) + g2_ref[...]
    out_ref[...] = agg * dinv_ref[...] + b2_ref[...]


FBN = 1000


def _fin_call(p2, g2, dinv, b2r):
    return pl.pallas_call(
        _fin_body,
        grid=(N // FBN,),
        in_specs=[
            pl.BlockSpec((NC, FBN, CLS), lambda i: (0, i, 0)),
            pl.BlockSpec((FBN, CLS), lambda i: (i, 0)),
            pl.BlockSpec((FBN, 1), lambda i: (i, 0)),
            pl.BlockSpec((1, CLS), lambda i: (0, 0)),
        ],
        out_specs=pl.BlockSpec((FBN, CLS), lambda i: (i, 0)),
        out_shape=jax.ShapeDtypeStruct((N, CLS), jnp.float32),
    )(p2, g2, dinv, b2r)


def kernel(x, edge_index, W1, b1, W2, b2):
    src = edge_index[0].astype(jnp.int32)
    dst = edge_index[1].astype(jnp.int32)
    pad_e = EPAD - E
    src_p = jnp.concatenate([src, jnp.zeros((pad_e,), jnp.int32)])
    dst_p = jnp.concatenate([dst, jnp.full((pad_e,), N, jnp.int32)])
    src1 = src_p.reshape(NS, CH1, CK)
    src1o = jnp.stack([src1, src1 + NPAD])
    dst1 = dst_p.reshape(NS, CH1, CK)
    src2 = src_p.reshape(NC, NS, CH2, CK)
    dst2 = dst_p.reshape(NC, NS, CH2, CK)
    x_pad = jnp.pad(x, ((0, NPAD - N), (0, 0)))
    b1r = b1.reshape(1, D)
    b2r = b2.reshape(1, CLS)

    degp = _deg_call(dst2)
    dinv = lax.rsqrt(jnp.sum(degp, axis=(0, 1)) + 1.0).reshape(NPAD, 1)
    g3 = _g1_call(x_pad, W1, dinv)
    g_flat = g3.reshape(NC * NPAD, HALF)
    scat = _scat1_call(g_flat, src1o, dst1)
    g2 = _h2_call(scat, g_flat, dinv, b1r, W2)
    p2 = _scat2_call(g2, src2, dst2)
    return _fin_call(p2, g2, dinv, b2r)

# --- scband reference (transcript-rebuilt; emitter-appended) ---
"""Pipeline reference for scband-gcn-29119878266916 (READ-ONLY COPY).

The authoritative reference and input builder live on the scoring server;
editing this copy changes nothing except your own understanding.
"""

import jax, jax.numpy as jnp
import numpy as np

N = 10000
E = 160000
D_IN = 256
HID = 256
N_CLS = 16


def gcn_conv(x, W, b, src, dst, num_nodes):
    # GCNConv: out = D^{-1/2} (A + I) D^{-1/2} X W + b, deg includes self-loops
    loop = jnp.arange(num_nodes, dtype=src.dtype)
    src2 = jnp.concatenate([src, loop])
    dst2 = jnp.concatenate([dst, loop])
    deg = jnp.zeros((num_nodes,), dtype=x.dtype).at[dst2].add(1.0)
    dinv = jnp.where(deg > 0, jax.lax.rsqrt(deg), 0.0)
    norm = dinv[src2] * dinv[dst2]
    h = x @ W
    msg = jnp.take(h, src2, axis=0) * norm[:, None]
    out = jax.ops.segment_sum(msg, dst2, num_segments=num_nodes)
    return out + b


def setup_inputs(seed: int = 0) -> dict:
    key = jax.random.key(seed)
    k1, k2, k3, k4 = jax.random.split(key, 4)
    x = jax.random.normal(k1, (N, D_IN), dtype=jnp.float32)
    edge_index = jax.random.randint(k2, (2, E), 0, N, dtype=jnp.int32)
    W1 = jax.random.normal(k3, (D_IN, HID), dtype=jnp.float32) * (1.0 / np.sqrt(D_IN))
    b1 = jnp.zeros((HID,), dtype=jnp.float32)
    W2 = jax.random.normal(k4, (HID, N_CLS), dtype=jnp.float32) * (1.0 / np.sqrt(HID))
    b2 = jnp.zeros((N_CLS,), dtype=jnp.float32)
    return {"x": x, "edge_index": edge_index, "W1": W1, "b1": b1, "W2": W2, "b2": b2}


def reference(x, edge_index, W1, b1, W2, b2):
    src = edge_index[0]
    dst = edge_index[1]
    h = gcn_conv(x, W1, b1, src, dst, N)
    h = jax.nn.relu(h)
    # dropout is identity in eval mode (training=False)
    out = gcn_conv(h, W2, b2, src, dst, N)
    return out

if __name__ == "__main__":
    import jax
    _d = setup_inputs()
    print(jax.jit(kernel)(*tuple(_d.values())))

</pallas_src>

<mosaic_0001>
#map = affine_map<(d0, d1) -> (0, 0, 0, 0)>
module attributes {stable_mosaic.version = 14 : i64} {
  func.func @_deg_body(%arg0: i32, %arg1: i32, %arg2: memref<2x16x40x128xi32, #tpu.memory_space<hbm>>, %arg3: memref<2x16x80x128xf32, #tpu.memory_space<hbm>>, %arg4: memref<40x128xi32, #tpu.memory_space<vmem>>, %arg5: memref<80x128xf32, #tpu.memory_space<vmem>>) attributes {dimension_semantics = [#tpu.dimension_semantics<core_parallel>, #tpu.dimension_semantics<subcore_parallel>], iteration_bounds = array<i64: 2, 16>, scalar_prefetch = 0 : i64, scratch_operands = 2 : i64, tpu.core_type = #tpu.core_type<sc_vector_subcore>, window_params = [{transform_indices = #map}, {transform_indices = #map}]} {
    "tpu.region"() ({
      %run_scoped3A = tpu.sem_alloc : memref<!tpu.dma_semaphore, #tpu.memory_space<semaphore_mem>>
      %dma_start3A = arith.constant 0 : i32
      %dma_start3A_14 = arith.constant 0 : i32
      %dma_start3A_15 = tpu.memref_slice %arg2[%arg0, %arg1, %dma_start3A, %dma_start3A_14] : memref<2x16x40x128xi32, #tpu.memory_space<hbm>> -> memref<1x1x40x128xi32, #tpu.memory_space<hbm>>
      %dma_start3A_16 = tpu.memref_squeeze %dma_start3A_15 : memref<1x1x40x128xi32, #tpu.memory_space<hbm>> -> memref<40x128xi32, #tpu.memory_space<hbm>>
      %dma_start3A_17 = arith.constant 0 : i32
      %dma_start3A_18 = arith.constant 0 : i32
      %dma_start3A_19 = tpu.memref_slice %arg2[%arg0, %arg1, %dma_start3A_17, %dma_start3A_18] : memref<2x16x40x128xi32, #tpu.memory_space<hbm>> -> memref<1x1x40x128xi32, #tpu.memory_space<hbm>>
      %dma_start3A_20 = tpu.memref_squeeze %dma_start3A_19 : memref<1x1x40x128xi32, #tpu.memory_space<hbm>> -> memref<40x128xi32, #tpu.memory_space<hbm>>
      tpu.enqueue_dma source(%dma_start3A_20 : memref<40x128xi32, #tpu.memory_space<hbm>>) target(%arg4 : memref<40x128xi32, #tpu.memory_space<vmem>>) target_semaphore(%run_scoped3A : memref<!tpu.dma_semaphore, #tpu.memory_space<semaphore_mem>>)
      %dma_wait3A = arith.constant 0 : i32
      %dma_wait3A_21 = arith.constant 0 : i32
      %dma_wait3A_22 = tpu.memref_slice %arg2[%arg0, %arg1, %dma_wait3A, %dma_wait3A_21] : memref<2x16x40x128xi32, #tpu.memory_space<hbm>> -> memref<1x1x40x128xi32, #tpu.memory_space<hbm>>
      %dma_wait3A_23 = tpu.memref_squeeze %dma_wait3A_22 : memref<1x1x40x128xi32, #tpu.memory_space<hbm>> -> memref<40x128xi32, #tpu.memory_space<hbm>>
      %dma_wait3A_24 = arith.constant 0 : i32
      %dma_wait3A_25 = arith.constant 0 : i32
      %dma_wait3A_26 = tpu.memref_slice %arg2[%arg0, %arg1, %dma_wait3A_24, %dma_wait3A_25] : memref<2x16x40x128xi32, #tpu.memory_space<hbm>> -> memref<1x1x40x128xi32, #tpu.memory_space<hbm>>
      %dma_wait3A_27 = tpu.memref_squeeze %dma_wait3A_26 : memref<1x1x40x128xi32, #tpu.memory_space<hbm>> -> memref<40x128xi32, #tpu.memory_space<hbm>>
      tpu.wait_dma2 semaphore(%run_scoped3A : memref<!tpu.dma_semaphore, #tpu.memory_space<semaphore_mem>>) src(%dma_wait3A_27 : memref<40x128xi32, #tpu.memory_space<hbm>>) dst(%arg4 : memref<40x128xi32, #tpu.memory_space<vmem>>)
      tpu.yield
    }) : () -> ()
    %broadcast_in_dim3A = arith.constant 0.000000e+00 : f32
    %broadcast_in_dim3A_0 = vector.broadcast %broadcast_in_dim3A : f32 to vector<16xf32>
    %scan3A = arith.constant 0 : i32
    %scan3A_1 = arith.constant 0 : i32
    %scan3A_2 = arith.constant 640 : i32
    %scan3A_3 = arith.addi %scan3A_1, %scan3A_2 : i32
    %scan3A_4 = arith.constant 1 : i32
    scf.for %scan3A_14 = %scan3A_1 to %scan3A_3 step %scan3A_4  : i32 {
      %jit3A = arith.constant 8 : i32
      %div3A = arith.divsi %scan3A_14, %jit3A : i32
      %sign3A = arith.constant 0 : i32
      %sign3A_15 = arith.cmpi sgt, %scan3A_14, %sign3A : i32
      %sign3A_16 = arith.extui %sign3A_15 : i1 to i32
      %sign3A_17 = arith.constant 0 : i32
      %sign3A_18 = arith.cmpi slt, %scan3A_14, %sign3A_17 : i32
      %sign3A_19 = arith.extui %sign3A_18 : i1 to i32
      %sign3A_20 = arith.subi %sign3A_16, %sign3A_19 : i32
      %sign3A_21 = arith.constant 0 : i32
      %sign3A_22 = arith.cmpi sgt, %jit3A, %sign3A_21 : i32
      %sign3A_23 = arith.extui %sign3A_22 : i1 to i32
      %sign3A_24 = arith.constant 0 : i32
      %sign3A_25 = arith.cmpi slt, %jit3A, %sign3A_24 : i32
      %sign3A_26 = arith.extui %sign3A_25 : i1 to i32
      %sign3A_27 = arith.subi %sign3A_23, %sign3A_26 : i32
      %ne3A = arith.cmpi ne, %sign3A_20, %sign3A_27 : i32
      %rem3A = arith.remsi %scan3A_14, %jit3A : i32
      %ne3A_28 = arith.constant 0 : i32
      %ne3A_29 = arith.cmpi ne, %rem3A, %ne3A_28 : i32
      %and3A = arith.andi %ne3A, %ne3A_29 : i1
      %sub3A = arith.constant 1 : i32
      %sub3A_30 = arith.subi %div3A, %sub3A : i32
      %select_n3A = arith.select %and3A, %sub3A_30, %div3A : i32
      %jit3A_31 = arith.constant 8 : i32
      %eq3A = arith.constant 0 : i32
      %eq3A_32 = arith.cmpi eq, %jit3A_31, %eq3A : i32
      %jit3A_33 = arith.constant 1 : i32
      %select_n3A_34 = arith.select %eq3A_32, %jit3A_33, %jit3A_31 : i32
      %rem3A_35 = arith.remsi %scan3A_14, %select_n3A_34 : i32
      %ne3A_36 = arith.constant 0 : i32
      %ne3A_37 = arith.cmpi ne, %rem3A_35, %ne3A_36 : i32
      %lt3A = arith.constant 0 : i32
      %lt3A_38 = arith.cmpi slt, %rem3A_35, %lt3A : i32
      %lt3A_39 = arith.constant 0 : i32
      %lt3A_40 = arith.cmpi slt, %select_n3A_34, %lt3A_39 : i32
      %ne3A_41 = arith.xori %lt3A_38, %lt3A_40 : i1
      %and3A_42 = arith.andi %ne3A_41, %ne3A_37 : i1
      %add3A = arith.addi %rem3A_35, %select_n3A_34 : i32
      %select_n3A_43 = arith.select %and3A_42, %add3A, %rem3A_35 : i32
      %mul3A = arith.constant 16 : i32
      %mul3A_44 = arith.muli %select_n3A_43, %mul3A : i32
      %swap3A = arith.index_cast %select_n3A : i32 to index
      %swap3A_45 = arith.index_cast %mul3A_44 : i32 to index
      %swap3A_46 = tpu.vector_load %arg5[%swap3A, %swap3A_45] {strides = array<i32>} : memref<80x128xf32, #tpu.memory_space<vmem>>, vector<16xf32>,
      tpu.vector_store %arg5[%swap3A, %swap3A_45], %broadcast_in_dim3A_0 {strides = array<i32>} : memref<80x128xf32, #tpu.memory_space<vmem>>, vector<16xf32>,
    }
    %scan3A_5 = arith.constant 640 : i32
    %broadcast_in_dim3A_6 = arith.constant 1.000000e+00 : f32
    %broadcast_in_dim3A_7 = vector.broadcast %broadcast_in_dim3A_6 : f32 to vector<16xf32>
    %scan3A_8 = arith.constant 0 : i32
    %scan3A_9 = arith.constant 0 : i32
    %scan3A_10 = arith.constant 320 : i32
    %scan3A_11 = arith.addi %scan3A_9, %scan3A_10 : i32
    %scan3A_12 = arith.constant 1 : i32
    scf.for %scan3A_14 = %scan3A_9 to %scan3A_11 step %scan3A_12  : i32 {
      %jit3A = arith.constant 8 : i32
      %div3A = arith.divsi %scan3A_14, %jit3A : i32
      %sign3A = arith.constant 0 : i32
      %sign3A_15 = arith.cmpi sgt, %scan3A_14, %sign3A : i32
      %sign3A_16 = arith.extui %sign3A_15 : i1 to i32
      %sign3A_17 = arith.constant 0 : i32
      %sign3A_18 = arith.cmpi slt, %scan3A_14, %sign3A_17 : i32
      %sign3A_19 = arith.extui %sign3A_18 : i1 to i32
      %sign3A_20 = arith.subi %sign3A_16, %sign3A_19 : i32
      %sign3A_21 = arith.constant 0 : i32
      %sign3A_22 = arith.cmpi sgt, %jit3A, %sign3A_21 : i32
      %sign3A_23 = arith.extui %sign3A_22 : i1 to i32
      %sign3A_24 = arith.constant 0 : i32
      %sign3A_25 = arith.cmpi slt, %jit3A, %sign3A_24 : i32
      %sign3A_26 = arith.extui %sign3A_25 : i1 to i32
      %sign3A_27 = arith.subi %sign3A_23, %sign3A_26 : i32
      %ne3A = arith.cmpi ne, %sign3A_20, %sign3A_27 : i32
      %rem3A = arith.remsi %scan3A_14, %jit3A : i32
      %ne3A_28 = arith.constant 0 : i32
      %ne3A_29 = arith.cmpi ne, %rem3A, %ne3A_28 : i32
      %and3A = arith.andi %ne3A, %ne3A_29 : i1
      %sub3A = arith.constant 1 : i32
      %sub3A_30 = arith.subi %div3A, %sub3A : i32
      %select_n3A = arith.select %and3A, %sub3A_30, %div3A : i32
      %jit3A_31 = arith.constant 8 : i32
      %eq3A = arith.constant 0 : i32
      %eq3A_32 = arith.cmpi eq, %jit3A_31, %eq3A : i32
      %jit3A_33 = arith.constant 1 : i32
      %select_n3A_34 = arith.select %eq3A_32, %jit3A_33, %jit3A_31 : i32
      %rem3A_35 = arith.remsi %scan3A_14, %select_n3A_34 : i32
      %ne3A_36 = arith.constant 0 : i32
      %ne3A_37 = arith.cmpi ne, %rem3A_35, %ne3A_36 : i32
      %lt3A = arith.constant 0 : i32
      %lt3A_38 = arith.cmpi slt, %rem3A_35, %lt3A : i32
      %lt3A_39 = arith.constant 0 : i32
      %lt3A_40 = arith.cmpi slt, %select_n3A_34, %lt3A_39 : i32
      %ne3A_41 = arith.xori %lt3A_38, %lt3A_40 : i1
      %and3A_42 = arith.andi %ne3A_41, %ne3A_37 : i1
      %add3A = arith.addi %rem3A_35, %select_n3A_34 : i32
      %select_n3A_43 = arith.select %and3A_42, %add3A, %rem3A_35 : i32
      %mul3A = arith.constant 16 : i32
      %mul3A_44 = arith.muli %select_n3A_43, %mul3A : i32
      %get3A = arith.index_cast %select_n3A : i32 to index
      %get3A_45 = arith.index_cast %mul3A_44 : i32 to index
      %get3A_46 = tpu.vector_load %arg4[%get3A, %get3A_45] {strides = array<i32>} : memref<40x128xi32, #tpu.memory_space<vmem>>, vector<16xi32>,
      %shift_right_arithmetic3A = arith.constant 7 : i32
      %shift_right_arithmetic3A_47 = vector.broadcast %shift_right_arithmetic3A : i32 to vector<16xi32>
      %shift_right_arithmetic3A_48 = arith.shrsi %get3A_46, %shift_right_arithmetic3A_47 : vector<16xi32>
      %and3A_49 = arith.constant 127 : i32
      %and3A_50 = vector.broadcast %and3A_49 : i32 to vector<16xi32>
      %and3A_51 = arith.andi %get3A_46, %and3A_50 : vector<16xi32>
      tpu.vector_store_idx %arg5[%shift_right_arithmetic3A_48, %and3A_51], %broadcast_in_dim3A_7 {add = true} : memref<80x128xf32, #tpu.memory_space<vmem>>[vector<16xi32>, vector<16xi32>], vector<16xf32>,
    }
    %scan3A_13 = arith.constant 320 : i32
    "tpu.region"() ({
      %run_scoped3A = tpu.sem_alloc : memref<!tpu.dma_semaphore, #tpu.memory_space<semaphore_mem>>
      %dma_start3A = arith.constant 0 : i32
      %dma_start3A_14 = arith.constant 0 : i32
      %dma_start3A_15 = tpu.memref_slice %arg3[%arg0, %arg1, %dma_start3A, %dma_start3A_14] : memref<2x16x80x128xf32, #tpu.memory_space<hbm>> -> memref<1x1x80x128xf32, #tpu.memory_space<hbm>>
      %dma_start3A_16 = tpu.memref_squeeze %dma_start3A_15 : memref<1x1x80x128xf32, #tpu.memory_space<hbm>> -> memref<80x128xf32, #tpu.memory_space<hbm>>
      %dma_start3A_17 = arith.constant 0 : i32
      %dma_start3A_18 = arith.constant 0 : i32
      %dma_start3A_19 = tpu.memref_slice %arg3[%arg0, %arg1, %dma_start3A_17, %dma_start3A_18] : memref<2x16x80x128xf32, #tpu.memory_space<hbm>> -> memref<1x1x80x128xf32, #tpu.memory_space<hbm>>
      %dma_start3A_20 = tpu.memref_squeeze %dma_start3A_19 : memref<1x1x80x128xf32, #tpu.memory_space<hbm>> -> memref<80x128xf32, #tpu.memory_space<hbm>>
      tpu.enqueue_dma source(%arg5 : memref<80x128xf32, #tpu.memory_space<vmem>>) target(%dma_start3A_20 : memref<80x128xf32, #tpu.memory_space<hbm>>) target_semaphore(%run_scoped3A : memref<!tpu.dma_semaphore, #tpu.memory_space<semaphore_mem>>)
      %dma_wait3A = arith.constant 0 : i32
      %dma_wait3A_21 = arith.constant 0 : i32
      %dma_wait3A_22 = tpu.memref_slice %arg3[%arg0, %arg1, %dma_wait3A, %dma_wait3A_21] : memref<2x16x80x128xf32, #tpu.memory_space<hbm>> -> memref<1x1x80x128xf32, #tpu.memory_space<hbm>>
      %dma_wait3A_23 = tpu.memref_squeeze %dma_wait3A_22 : memref<1x1x80x128xf32, #tpu.memory_space<hbm>> -> memref<80x128xf32, #tpu.memory_space<hbm>>
      %dma_wait3A_24 = arith.constant 0 : i32
      %dma_wait3A_25 = arith.constant 0 : i32
      %dma_wait3A_26 = tpu.memref_slice %arg3[%arg0, %arg1, %dma_wait3A_24, %dma_wait3A_25] : memref<2x16x80x128xf32, #tpu.memory_space<hbm>> -> memref<1x1x80x128xf32, #tpu.memory_space<hbm>>
      %dma_wait3A_27 = tpu.memref_squeeze %dma_wait3A_26 : memref<1x1x80x128xf32, #tpu.memory_space<hbm>> -> memref<80x128xf32, #tpu.memory_space<hbm>>
      tpu.wait_dma2 semaphore(%run_scoped3A : memref<!tpu.dma_semaphore, #tpu.memory_space<semaphore_mem>>) src(%arg5 : memref<80x128xf32, #tpu.memory_space<vmem>>) dst(%dma_wait3A_27 : memref<80x128xf32, #tpu.memory_space<hbm>>)
      tpu.yield
    }) : () -> ()
    return
  }
}

#map = affine_map<(d0, d1) -> (0, 0)>
#map1 = affine_map<(d0, d1) -> (0, 0, 0, 0)>
#map2 = affine_map<(d0, d1) -> (0, 0, 0)>
module attributes {stable_mosaic.version = 14 : i64} {
  func.func @_scat2_body(%arg0: i32, %arg1: i32, %arg2: memref<10240x16xf32, #tpu.memory_space<hbm>>, %arg3: memref<2x16x40x128xi32, #tpu.memory_space<hbm>>, %arg4: memref<2x16x40x128xi32, #tpu.memory_space<hbm>>, %arg5: memref<2x10240x16xf32, #tpu.memory_space<hbm>>, %arg6: memref<40x128xi32, #tpu.memory_space<vmem>>, %arg7: memref<40x128xi32, #tpu.memory_space<vmem>>, %arg8: memref<128x16xf32, #tpu.memory_space<vmem>>, %arg9: memref<128x16xf32, #tpu.memory_space<vmem>>, %arg10: memref<10240x16xf32, #tpu.memory_space<vmem_shared>>, %arg11: memref<!tpu.dma_semaphore, #tpu.memory_space<semaphore_mem>>, %arg12: memref<!tpu.dma_semaphore, #tpu.memory_space<semaphore_mem>>) attributes {dimension_semantics = [#tpu.dimension_semantics<core_parallel>, #tpu.dimension_semantics<subcore_parallel>], iteration_bounds = array<i64: 2, 16>, scalar_prefetch = 0 : i64, scratch_operands = 7 : i64, tpu.core_type = #tpu.core_type<sc_vector_subcore>, window_params = [{transform_indices = #map}, {transform_indices = #map1}, {transform_indices = #map1}, {transform_indices = #map2}]} {
    %broadcast_in_dim3A = arith.constant 0.000000e+00 : f32
    %broadcast_in_dim3A_0 = vector.broadcast %broadcast_in_dim3A : f32 to vector<16xf32>
    %scan3A = arith.constant 0 : i32
    %scan3A_1 = arith.constant 0 : i32
    %scan3A_2 = arith.constant 128 : i32
    %scan3A_3 = arith.addi %scan3A_1, %scan3A_2 : i32
    %scan3A_4 = arith.constant 1 : i32
    scf.for %scan3A_41 = %scan3A_1 to %scan3A_3 step %scan3A_4  : i32 {
      %jit3A = arith.constant 1 : i32
      %div3A = arith.divsi %scan3A_41, %jit3A : i32
      %sign3A = arith.constant 0 : i32
      %sign3A_42 = arith.cmpi sgt, %scan3A_41, %sign3A : i32
      %sign3A_43 = arith.extui %sign3A_42 : i1 to i32
      %sign3A_44 = arith.constant 0 : i32
      %sign3A_45 = arith.cmpi slt, %scan3A_41, %sign3A_44 : i32
      %sign3A_46 = arith.extui %sign3A_45 : i1 to i32
      %sign3A_47 = arith.subi %sign3A_43, %sign3A_46 : i32
      %sign3A_48 = arith.constant 0 : i32
      %sign3A_49 = arith.cmpi sgt, %jit3A, %sign3A_48 : i32
      %sign3A_50 = arith.extui %sign3A_49 : i1 to i32
      %sign3A_51 = arith.constant 0 : i32
      %sign3A_52 = arith.cmpi slt, %jit3A, %sign3A_51 : i32
      %sign3A_53 = arith.extui %sign3A_52 : i1 to i32
      %sign3A_54 = arith.subi %sign3A_50, %sign3A_53 : i32
      %ne3A = arith.cmpi ne, %sign3A_47, %sign3A_54 : i32
      %rem3A = arith.remsi %scan3A_41, %jit3A : i32
      %ne3A_55 = arith.constant 0 : i32
      %ne3A_56 = arith.cmpi ne, %rem3A, %ne3A_55 : i32
      %and3A = arith.andi %ne3A, %ne3A_56 : i1
      %sub3A = arith.constant 1 : i32
      %sub3A_57 = arith.subi %div3A, %sub3A : i32
      %select_n3A = arith.select %and3A, %sub3A_57, %div3A : i32
      %jit3A_58 = arith.constant 1 : i32
      %eq3A = arith.constant 0 : i32
      %eq3A_59 = arith.cmpi eq, %jit3A_58, %eq3A : i32
      %jit3A_60 = arith.constant 1 : i32
      %select_n3A_61 = arith.select %eq3A_59, %jit3A_60, %jit3A_58 : i32
      %rem3A_62 = arith.remsi %scan3A_41, %select_n3A_61 : i32
      %ne3A_63 = arith.constant 0 : i32
      %ne3A_64 = arith.cmpi ne, %rem3A_62, %ne3A_63 : i32
      %lt3A = arith.constant 0 : i32
      %lt3A_65 = arith.cmpi slt, %rem3A_62, %lt3A : i32
      %lt3A_66 = arith.constant 0 : i32
      %lt3A_67 = arith.cmpi slt, %select_n3A_61, %lt3A_66 : i32
      %ne3A_68 = arith.xori %lt3A_65, %lt3A_67 : i1
      %and3A_69 = arith.andi %ne3A_68, %ne3A_64 : i1
      %add3A_70 = arith.addi %rem3A_62, %select_n3A_61 : i32
      %select_n3A_71 = arith.select %and3A_69, %add3A_70, %rem3A_62 : i32
      %mul3A_72 = arith.constant 16 : i32
      %mul3A_73 = arith.muli %select_n3A_71, %mul3A_72 : i32
      %swap3A = arith.index_cast %select_n3A : i32 to index
      %swap3A_74 = arith.index_cast %mul3A_73 : i32 to index
      %swap3A_75 = tpu.vector_load %arg8[%swap3A, %swap3A_74] {strides = array<i32>} : memref<128x16xf32, #tpu.memory_space<vmem>>, vector<1x16xf32>,
      %swap3A_76 = vector.shape_cast %swap3A_75 : vector<1x16xf32> to vector<16xf32>
      %swap3A_77 = vector.shape_cast %broadcast_in_dim3A_0 : vector<16xf32> to vector<1x16xf32>
      tpu.vector_store %arg8[%swap3A, %swap3A_74], %swap3A_77 {strides = array<i32>} : memref<128x16xf32, #tpu.memory_space<vmem>>, vector<1x16xf32>,
    }
    %scan3A_5 = arith.constant 128 : i32
    %mul3A = arith.constant 640 : i32
    %mul3A_6 = arith.muli %arg1, %mul3A : i32
    %add3A = arith.constant 0 : i32
    %add3A_7 = arith.addi %mul3A_6, %add3A : i32
    "tpu.region"() ({
      %run_scoped3A = tpu.sem_alloc : memref<!tpu.dma_semaphore, #tpu.memory_space<semaphore_mem>>
      %dma_start3A_41 = arith.constant 0 : i32
      %dma_start3A_42 = tpu.memref_slice %arg10[%add3A_7, %dma_start3A_41] : memref<10240x16xf32, #tpu.memory_space<vmem_shared>> -> memref<128x16xf32, #tpu.memory_space<vmem_shared>>
      %dma_start3A_43 = arith.constant 0 : i32
      %dma_start3A_44 = tpu.memref_slice %arg10[%add3A_7, %dma_start3A_43] : memref<10240x16xf32, #tpu.memory_space<vmem_shared>> -> memref<128x16xf32, #tpu.memory_space<vmem_shared>>
      tpu.enqueue_dma source(%arg8 : memref<128x16xf32, #tpu.memory_space<vmem>>) target(%dma_start3A_44 : memref<128x16xf32, #tpu.memory_space<vmem_shared>>) target_semaphore(%run_scoped3A : memref<!tpu.dma_semaphore, #tpu.memory_space<semaphore_mem>>)
      %dma_wait3A = arith.constant 0 : i32
      %dma_wait3A_45 = tpu.memref_slice %arg10[%add3A_7, %dma_wait3A] : memref<10240x16xf32, #tpu.memory_space<vmem_shared>> -> memref<128x16xf32, #tpu.memory_space<vmem_shared>>
      %dma_wait3A_46 = arith.constant 0 : i32
      %dma_wait3A_47 = tpu.memref_slice %arg10[%add3A_7, %dma_wait3A_46] : memref<10240x16xf32, #tpu.memory_space<vmem_shared>> -> memref<128x16xf32, #tpu.memory_space<vmem_shared>>
      tpu.wait_dma2 semaphore(%run_scoped3A : memref<!tpu.dma_semaphore, #tpu.memory_space<semaphore_mem>>) src(%arg8 : memref<128x16xf32, #tpu.memory_space<vmem>>) dst(%dma_wait3A_47 : memref<128x16xf32, #tpu.memory_space<vmem_shared>>)
      tpu.yield
    }) : () -> ()
    %mul3A_8 = arith.constant 640 : i32
    %mul3A_9 = arith.muli %arg1, %mul3A_8 : i32
    %add3A_10 = arith.constant 128 : i32
    %add3A_11 = arith.addi %mul3A_9, %add3A_10 : i32
    "tpu.region"() ({
      %run_scoped3A = tpu.sem_alloc : memref<!tpu.dma_semaphore, #tpu.memory_space<semaphore_mem>>
      %dma_start3A_41 = arith.constant 0 : i32
      %dma_start3A_42 = tpu.memref_slice %arg10[%add3A_11, %dma_start3A_41] : memref<10240x16xf32, #tpu.memory_space<vmem_shared>> -> memref<128x16xf32, #tpu.memory_space<vmem_shared>>
      %dma_start3A_43 = arith.constant 0 : i32
      %dma_start3A_44 = tpu.memref_slice %arg10[%add3A_11, %dma_start3A_43] : memref<10240x16xf32, #tpu.memory_space<vmem_shared>> -> memref<128x16xf32, #tpu.memory_space<vmem_shared>>
      tpu.enqueue_dma source(%arg8 : memref<128x16xf32, #tpu.memory_space<vmem>>) target(%dma_start3A_44 : memref<128x16xf32, #tpu.memory_space<vmem_shared>>) target_semaphore(%run_scoped3A : memref<!tpu.dma_semaphore, #tpu.memory_space<semaphore_mem>>)
      %dma_wait3A = arith.constant 0 : i32
      %dma_wait3A_45 = tpu.memref_slice %arg10[%add3A_11, %dma_wait3A] : memref<10240x16xf32, #tpu.memory_space<vmem_shared>> -> memref<128x16xf32, #tpu.memory_space<vmem_shared>>
      %dma_wait3A_46 = arith.constant 0 : i32
      %dma_wait3A_47 = tpu.memref_slice %arg10[%add3A_11, %dma_wait3A_46] : memref<10240x16xf32, #tpu.memory_space<vmem_shared>> -> memref<128x16xf32, #tpu.memory_space<vmem_shared>>
      tpu.wait_dma2 semaphore(%run_scoped3A : memref<!tpu.dma_semaphore, #tpu.memory_space<semaphore_mem>>) src(%arg8 : memref<128x16xf32, #tpu.memory_space<vmem>>) dst(%dma_wait3A_47 : memref<128x16xf32, #tpu.memory_space<vmem_shared>>)
      tpu.yield
    }) : () -> ()
    %mul3A_12 = arith.constant 640 : i32
    %mul3A_13 = arith.muli %arg1, %mul3A_12 : i32
    %add3A_14 = arith.constant 256 : i32
    %add3A_15 = arith.addi %mul3A_13, %add3A_14 : i32
    "tpu.region"() ({
      %run_scoped3A = tpu.sem_alloc : memref<!tpu.dma_semaphore, #tpu.memory_space<semaphore_mem>>
      %dma_start3A_41 = arith.constant 0 : i32
      %dma_start3A_42 = tpu.memref_slice %arg10[%add3A_15, %dma_start3A_41] : memref<10240x16xf32, #tpu.memory_space<vmem_shared>> -> memref<128x16xf32, #tpu.memory_space<vmem_shared>>
      %dma_start3A_43 = arith.constant 0 : i32
      %dma_start3A_44 = tpu.memref_slice %arg10[%add3A_15, %dma_start3A_43] : memref<10240x16xf32, #tpu.memory_space<vmem_shared>> -> memref<128x16xf32, #tpu.memory_space<vmem_shared>>
      tpu.enqueue_dma source(%arg8 : memref<128x16xf32, #tpu.memory_space<vmem>>) target(%dma_start3A_44 : memref<128x16xf32, #tpu.memory_space<vmem_shared>>) target_semaphore(%run_scoped3A : memref<!tpu.dma_semaphore, #tpu.memory_space<semaphore_mem>>)
      %dma_wait3A = arith.constant 0 : i32
      %dma_wait3A_45 = tpu.memref_slice %arg10[%add3A_15, %dma_wait3A] : memref<10240x16xf32, #tpu.memory_space<vmem_shared>> -> memref<128x16xf32, #tpu.memory_space<vmem_shared>>
      %dma_wait3A_46 = arith.constant 0 : i32
      %dma_wait3A_47 = tpu.memref_slice %arg10[%add3A_15, %dma_wait3A_46] : memref<10240x16xf32, #tpu.memory_space<vmem_shared>> -> memref<128x16xf32, #tpu.memory_space<vmem_shared>>
      tpu.wait_dma2 semaphore(%run_scoped3A : memref<!tpu.dma_semaphore, #tpu.memory_space<semaphore_mem>>) src(%arg8 : memref<128x16xf32, #tpu.memory_space<vmem>>) dst(%dma_wait3A_47 : memref<128x16xf32, #tpu.memory_space<vmem_shared>>)
      tpu.yield
    }) : () -> ()
    %mul3A_16 = arith.constant 640 : i32
    %mul3A_17 = arith.muli %arg1, %mul3A_16 : i32
    %add3A_18 = arith.constant 384 : i32
    %add3A_19 = arith.addi %mul3A_17, %add3A_18 : i32
    "tpu.region"() ({
      %run_scoped3A = tpu.sem_alloc : memref<!tpu.dma_semaphore, #tpu.memory_space<semaphore_mem>>
      %dma_start3A_41 = arith.constant 0 : i32
      %dma_start3A_42 = tpu.memref_slice %arg10[%add3A_19, %dma_start3A_41] : memref<10240x16xf32, #tpu.memory_space<vmem_shared>> -> memref<128x16xf32, #tpu.memory_space<vmem_shared>>
      %dma_start3A_43 = arith.constant 0 : i32
      %dma_start3A_44 = tpu.memref_slice %arg10[%add3A_19, %dma_start3A_43] : memref<10240x16xf32, #tpu.memory_space<vmem_shared>> -> memref<128x16xf32, #tpu.memory_space<vmem_shared>>
      tpu.enqueue_dma source(%arg8 : memref<128x16xf32, #tpu.memory_space<vmem>>) target(%dma_start3A_44 : memref<128x16xf32, #tpu.memory_space<vmem_shared>>) target_semaphore(%run_scoped3A : memref<!tpu.dma_semaphore, #tpu.memory_space<semaphore_mem>>)
      %dma_wait3A = arith.constant 0 : i32
      %dma_wait3A_45 = tpu.memref_slice %arg10[%add3A_19, %dma_wait3A] : memref<10240x16xf32, #tpu.memory_space<vmem_shared>> -> memref<128x16xf32, #tpu.memory_space<vmem_shared>>
      %dma_wait3A_46 = arith.constant 0 : i32
      %dma_wait3A_47 = tpu.memref_slice %arg10[%add3A_19, %dma_wait3A_46] : memref<10240x16xf32, #tpu.memory_space<vmem_shared>> -> memref<128x16xf32, #tpu.memory_space<vmem_shared>>
      tpu.wait_dma2 semaphore(%run_scoped3A : memref<!tpu.dma_semaphore, #tpu.memory_space<semaphore_mem>>) src(%arg8 : memref<128x16xf32, #tpu.memory_space<vmem>>) dst(%dma_wait3A_47 : memref<128x16xf32, #tpu.memory_space<vmem_shared>>)
      tpu.yield
    }) : () -> ()
    %mul3A_20 = arith.constant 640 : i32
    %mul3A_21 = arith.muli %arg1, %mul3A_20 : i32
    %add3A_22 = arith.constant 512 : i32
    %add3A_23 = arith.addi %mul3A_21, %add3A_22 : i32
    "tpu.region"() ({
      %run_scoped3A = tpu.sem_alloc : memref<!tpu.dma_semaphore, #tpu.memory_space<semaphore_mem>>
      %dma_start3A_41 = arith.constant 0 : i32
      %dma_start3A_42 = tpu.memref_slice %arg10[%add3A_23, %dma_start3A_41] : memref<10240x16xf32, #tpu.memory_space<vmem_shared>> -> memref<128x16xf32, #tpu.memory_space<vmem_shared>>
      %dma_start3A_43 = arith.constant 0 : i32
      %dma_start3A_44 = tpu.memref_slice %arg10[%add3A_23, %dma_start3A_43] : memref<10240x16xf32, #tpu.memory_space<vmem_shared>> -> memref<128x16xf32, #tpu.memory_space<vmem_shared>>
      tpu.enqueue_dma source(%arg8 : memref<128x16xf32, #tpu.memory_space<vmem>>) target(%dma_start3A_44 : memref<128x16xf32, #tpu.memory_space<vmem_shared>>) target_semaphore(%run_scoped3A : memref<!tpu.dma_semaphore, #tpu.memory_space<semaphore_mem>>)
      %dma_wait3A = arith.constant 0 : i32
      %dma_wait3A_45 = tpu.memref_slice %arg10[%add3A_23, %dma_wait3A] : memref<10240x16xf32, #tpu.memory_space<vmem_shared>> -> memref<128x16xf32, #tpu.memory_space<vmem_shared>>
      %dma_wait3A_46 = arith.constant 0 : i32
      %dma_wait3A_47 = tpu.memref_slice %arg10[%add3A_23, %dma_wait3A_46] : memref<10240x16xf32, #tpu.memory_space<vmem_shared>> -> memref<128x16xf32, #tpu.memory_space<vmem_shared>>
      tpu.wait_dma2 semaphore(%run_scoped3A : memref<!tpu.dma_semaphore, #tpu.memory_space<semaphore_mem>>) src(%arg8 : memref<128x16xf32, #tpu.memory_space<vmem>>) dst(%dma_wait3A_47 : memref<128x16xf32, #tpu.memory_space<vmem_shared>>)
      tpu.yield
    }) : () -> ()
    "tpu.region"() ({
      %run_scoped3A = tpu.sem_alloc : memref<!tpu.dma_semaphore, #tpu.memory_space<semaphore_mem>>
      %dma_start3A_41 = arith.constant 0 : i32
      %dma_start3A_42 = arith.constant 0 : i32
      %dma_start3A_43 = tpu.memref_slice %arg3[%arg0, %arg1, %dma_start3A_41, %dma_start3A_42] : memref<2x16x40x128xi32, #tpu.memory_space<hbm>> -> memref<1x1x40x128xi32, #tpu.memory_space<hbm>>
      %dma_start3A_44 = tpu.memref_squeeze %dma_start3A_43 : memref<1x1x40x128xi32, #tpu.memory_space<hbm>> -> memref<40x128xi32, #tpu.memory_space<hbm>>
      %dma_start3A_45 = arith.constant 0 : i32
      %dma_start3A_46 = arith.constant 0 : i32
      %dma_start3A_47 = tpu.memref_slice %arg3[%arg0, %arg1, %dma_start3A_45, %dma_start3A_46] : memref<2x16x40x128xi32, #tpu.memory_space<hbm>> -> memref<1x1x40x128xi32, #tpu.memory_space<hbm>>
      %dma_start3A_48 = tpu.memref_squeeze %dma_start3A_47 : memref<1x1x40x128xi32, #tpu.memory_space<hbm>> -> memref<40x128xi32, #tpu.memory_space<hbm>>
      tpu.enqueue_dma source(%dma_start3A_48 : memref<40x128xi32, #tpu.memory_space<hbm>>) target(%arg6 : memref<40x128xi32, #tpu.memory_space<vmem>>) target_semaphore(%run_scoped3A : memref<!tpu.dma_semaphore, #tpu.memory_space<semaphore_mem>>)
      %dma_wait3A = arith.constant 0 : i32
      %dma_wait3A_49 = arith.constant 0 : i32
      %dma_wait3A_50 = tpu.memref_slice %arg3[%arg0, %arg1, %dma_wait3A, %dma_wait3A_49] : memref<2x16x40x128xi32, #tpu.memory_space<hbm>> -> memref<1x1x40x128xi32, #tpu.memory_space<hbm>>
      %dma_wait3A_51 = tpu.memref_squeeze %dma_wait3A_50 : memref<1x1x40x128xi32, #tpu.memory_space<hbm>> -> memref<40x128xi32, #tpu.memory_space<hbm>>
      %dma_wait3A_52 = arith.constant 0 : i32
      %dma_wait3A_53 = arith.constant 0 : i32
      %dma_wait3A_54 = tpu.memref_slice %arg3[%arg0, %arg1, %dma_wait3A_52, %dma_wait3A_53] : memref<2x16x40x128xi32, #tpu.memory_space<hbm>> -> memref<1x1x40x128xi32, #tpu.memory_space<hbm>>
      %dma_wait3A_55 = tpu.memref_squeeze %dma_wait3A_54 : memref<1x1x40x128xi32, #tpu.memory_space<hbm>> -> memref<40x128xi32, #tpu.memory_space<hbm>>
      tpu.wait_dma2 semaphore(%run_scoped3A : memref<!tpu.dma_semaphore, #tpu.memory_space<semaphore_mem>>) src(%dma_wait3A_55 : memref<40x128xi32, #tpu.memory_space<hbm>>) dst(%arg6 : memref<40x128xi32, #tpu.memory_space<vmem>>)
      tpu.yield
    }) : () -> ()
    "tpu.region"() ({
      %run_scoped3A = tpu.sem_alloc : memref<!tpu.dma_semaphore, #tpu.memory_space<semaphore_mem>>
      %dma_start3A_41 = arith.constant 0 : i32
      %dma_start3A_42 = arith.constant 0 : i32
      %dma_start3A_43 = tpu.memref_slice %arg4[%arg0, %arg1, %dma_start3A_41, %dma_start3A_42] : memref<2x16x40x128xi32, #tpu.memory_space<hbm>> -> memref<1x1x40x128xi32, #tpu.memory_space<hbm>>
      %dma_start3A_44 = tpu.memref_squeeze %dma_start3A_43 : memref<1x1x40x128xi32, #tpu.memory_space<hbm>> -> memref<40x128xi32, #tpu.memory_space<hbm>>
      %dma_start3A_45 = arith.constant 0 : i32
      %dma_start3A_46 = arith.constant 0 : i32
      %dma_start3A_47 = tpu.memref_slice %arg4[%arg0, %arg1, %dma_start3A_45, %dma_start3A_46] : memref<2x16x40x128xi32, #tpu.memory_space<hbm>> -> memref<1x1x40x128xi32, #tpu.memory_space<hbm>>
      %dma_start3A_48 = tpu.memref_squeeze %dma_start3A_47 : memref<1x1x40x128xi32, #tpu.memory_space<hbm>> -> memref<40x128xi32, #tpu.memory_space<hbm>>
      tpu.enqueue_dma source(%dma_start3A_48 : memref<40x128xi32, #tpu.memory_space<hbm>>) target(%arg7 : memref<40x128xi32, #tpu.memory_space<vmem>>) target_semaphore(%run_scoped3A : memref<!tpu.dma_semaphore, #tpu.memory_space<semaphore_mem>>)
      %dma_wait3A = arith.constant 0 : i32
      %dma_wait3A_49 = arith.constant 0 : i32
      %dma_wait3A_50 = tpu.memref_slice %arg4[%arg0, %arg1, %dma_wait3A, %dma_wait3A_49] : memref<2x16x40x128xi32, #tpu.memory_space<hbm>> -> memref<1x1x40x128xi32, #tpu.memory_space<hbm>>
      %dma_wait3A_51 = tpu.memref_squeeze %dma_wait3A_50 : memref<1x1x40x128xi32, #tpu.memory_space<hbm>> -> memref<40x128xi32, #tpu.memory_space<hbm>>
      %dma_wait3A_52 = arith.constant 0 : i32
      %dma_wait3A_53 = arith.constant 0 : i32
      %dma_wait3A_54 = tpu.memref_slice %arg4[%arg0, %arg1, %dma_wait3A_52, %dma_wait3A_53] : memref<2x16x40x128xi32, #tpu.memory_space<hbm>> -> memref<1x1x40x128xi32, #tpu.memory_space<hbm>>
      %dma_wait3A_55 = tpu.memref_squeeze %dma_wait3A_54 : memref<1x1x40x128xi32, #tpu.memory_space<hbm>> -> memref<40x128xi32, #tpu.memory_space<hbm>>
      tpu.wait_dma2 semaphore(%run_scoped3A : memref<!tpu.dma_semaphore, #tpu.memory_space<semaphore_mem>>) src(%dma_wait3A_55 : memref<40x128xi32, #tpu.memory_space<hbm>>) dst(%arg7 : memref<40x128xi32, #tpu.memory_space<vmem>>)
      tpu.yield
    }) : () -> ()
    %barrier3A = arith.constant 0 : index
    tpu.barrier barrier_id(%barrier3A)
    %dma_start3A = arith.constant 0 : i32
    %dma_start3A_24 = arith.constant 0 : i32
    %dma_start3A_25 = tpu.memref_slice %arg6[%dma_start3A, %dma_start3A_24] : memref<40x128xi32, #tpu.memory_space<vmem>> -> memref<1x128xi32, #tpu.memory_space<vmem>>
    %dma_start3A_26 = tpu.memref_squeeze %dma_start3A_25 : memref<1x128xi32, #tpu.memory_space<vmem>> -> memref<128xi32, #tpu.memory_space<vmem>>
    %dma_start3A_27 = arith.constant 0 : i32
    %dma_start3A_28 = arith.constant 0 : i32
    %dma_start3A_29 = tpu.memref_slice %arg2[%dma_start3A_27, %dma_start3A_28] : memref<10240x16xf32, #tpu.memory_space<hbm>> -> memref<10240x16xf32, #tpu.memory_space<hbm>>
    tpu.enqueue_indirect_dma source(%dma_start3A_29 : memref<10240x16xf32, #tpu.memory_space<hbm>>) target(%arg8 : memref<128x16xf32, #tpu.memory_space<vmem>>) offsets(%dma_start3A_26 : memref<128xi32, #tpu.memory_space<vmem>>) semaphore(%arg11 : memref<!tpu.dma_semaphore, #tpu.memory_space<semaphore_mem>>)
    %scan3A_30 = arith.constant 0 : i32
    %scan3A_31 = arith.constant 0 : i32
    %scan3A_32 = arith.constant 20 : i32
    %scan3A_33 = arith.addi %scan3A_31, %scan3A_32 : i32
    %scan3A_34 = arith.constant 1 : i32
    scf.for %scan3A_41 = %scan3A_31 to %scan3A_33 step %scan3A_34  : i32 {
      %mul3A_42 = arith.constant 2 : i32
      %mul3A_43 = arith.muli %scan3A_41, %mul3A_42 : i32
      %dma_wait3A = arith.constant 0 : i32
      %dma_wait3A_44 = tpu.memref_slice %arg6[%mul3A_43, %dma_wait3A] : memref<40x128xi32, #tpu.memory_space<vmem>> -> memref<1x128xi32, #tpu.memory_space<vmem>>
      %dma_wait3A_45 = tpu.memref_squeeze %dma_wait3A_44 : memref<1x128xi32, #tpu.memory_space<vmem>> -> memref<128xi32, #tpu.memory_space<vmem>>
      %dma_wait3A_46 = arith.constant 0 : i32
      %dma_wait3A_47 = arith.constant 0 : i32
      %dma_wait3A_48 = tpu.memref_slice %arg2[%dma_wait3A_46, %dma_wait3A_47] : memref<10240x16xf32, #tpu.memory_space<hbm>> -> memref<10240x16xf32, #tpu.memory_space<hbm>>
      tpu.wait_indirect_dma semaphore(%arg11 : memref<!tpu.dma_semaphore, #tpu.memory_space<semaphore_mem>>) src(%dma_wait3A_48 : memref<10240x16xf32, #tpu.memory_space<hbm>>) dst(%arg8 : memref<128x16xf32, #tpu.memory_space<vmem>>)
      %add3A_49 = arith.constant 1 : i32
      %add3A_50 = arith.addi %mul3A_43, %add3A_49 : i32
      %dma_start3A_51 = arith.constant 0 : i32
      %dma_start3A_52 = tpu.memref_slice %arg6[%add3A_50, %dma_start3A_51] : memref<40x128xi32, #tpu.memory_space<vmem>> -> memref<1x128xi32, #tpu.memory_space<vmem>>
      %dma_start3A_53 = tpu.memref_squeeze %dma_start3A_52 : memref<1x128xi32, #tpu.memory_space<vmem>> -> memref<128xi32, #tpu.memory_space<vmem>>
      %dma_start3A_54 = arith.constant 0 : i32
      %dma_start3A_55 = arith.constant 0 : i32
      %dma_start3A_56 = tpu.memref_slice %arg2[%dma_start3A_54, %dma_start3A_55] : memref<10240x16xf32, #tpu.memory_space<hbm>> -> memref<10240x16xf32, #tpu.memory_space<hbm>>
      tpu.enqueue_indirect_dma source(%dma_start3A_56 : memref<10240x16xf32, #tpu.memory_space<hbm>>) target(%arg9 : memref<128x16xf32, #tpu.memory_space<vmem>>) offsets(%dma_start3A_53 : memref<128xi32, #tpu.memory_space<vmem>>) semaphore(%arg12 : memref<!tpu.dma_semaphore, #tpu.memory_space<semaphore_mem>>)
      "tpu.region"() ({
        %run_scoped3A = tpu.sem_alloc : memref<!tpu.dma_semaphore, #tpu.memory_space<semaphore_mem>>
        %dma_start3A_71 = arith.constant 0 : i32
        %dma_start3A_72 = tpu.memref_slice %arg7[%mul3A_43, %dma_start3A_71] : memref<40x128xi32, #tpu.memory_space<vmem>> -> memref<1x128xi32, #tpu.memory_space<vmem>>
        %dma_start3A_73 = tpu.memref_squeeze %dma_start3A_72 : memref<1x128xi32, #tpu.memory_space<vmem>> -> memref<128xi32, #tpu.memory_space<vmem>>
        %dma_start3A_74 = arith.constant 0 : i32
        %dma_start3A_75 = arith.constant 0 : i32
        %dma_start3A_76 = tpu.memref_slice %arg10[%dma_start3A_74, %dma_start3A_75] : memref<10240x16xf32, #tpu.memory_space<vmem_shared>> -> memref<10240x16xf32, #tpu.memory_space<vmem_shared>>
        tpu.enqueue_indirect_dma source(%arg8 : memref<128x16xf32, #tpu.memory_space<vmem>>) target(%dma_start3A_76 : memref<10240x16xf32, #tpu.memory_space<vmem_shared>>) offsets(%dma_start3A_73 : memref<128xi32, #tpu.memory_space<vmem>>) semaphore(%run_scoped3A : memref<!tpu.dma_semaphore, #tpu.memory_space<semaphore_mem>>) {add = true}
        %dma_wait3A_77 = arith.constant 0 : i32
        %dma_wait3A_78 = tpu.memref_slice %arg7[%mul3A_43, %dma_wait3A_77] : memref<40x128xi32, #tpu.memory_space<vmem>> -> memref<1x128xi32, #tpu.memory_space<vmem>>
        %dma_wait3A_79 = tpu.memref_squeeze %dma_wait3A_78 : memref<1x128xi32, #tpu.memory_space<vmem>> -> memref<128xi32, #tpu.memory_space<vmem>>
        %dma_wait3A_80 = arith.constant 0 : i32
        %dma_wait3A_81 = arith.constant 0 : i32
        %dma_wait3A_82 = tpu.memref_slice %arg10[%dma_wait3A_80, %dma_wait3A_81] : memref<10240x16xf32, #tpu.memory_space<vmem_shared>> -> memref<10240x16xf32, #tpu.memory_space<vmem_shared>>
        tpu.wait_indirect_dma semaphore(%run_scoped3A : memref<!tpu.dma_semaphore, #tpu.memory_space<semaphore_mem>>) src(%arg8 : memref<128x16xf32, #tpu.memory_space<vmem>>) dst(%dma_wait3A_82 : memref<10240x16xf32, #tpu.memory_space<vmem_shared>>)
        tpu.yield
      }) : () -> ()
      %add3A_57 = arith.constant 1 : i32
      %add3A_58 = arith.addi %mul3A_43, %add3A_57 : i32
      %dma_wait3A_59 = arith.constant 0 : i32
      %dma_wait3A_60 = tpu.memref_slice %arg6[%add3A_58, %dma_wait3A_59] : memref<40x128xi32, #tpu.memory_space<vmem>> -> memref<1x128xi32, #tpu.memory_space<vmem>>
      %dma_wait3A_61 = tpu.memref_squeeze %dma_wait3A_60 : memref<1x128xi32, #tpu.memory_space<vmem>> -> memref<128xi32, #tpu.memory_space<vmem>>
      %dma_wait3A_62 = arith.constant 0 : i32
      %dma_wait3A_63 = arith.constant 0 : i32
      %dma_wait3A_64 = tpu.memref_slice %arg2[%dma_wait3A_62, %dma_wait3A_63] : memref<10240x16xf32, #tpu.memory_space<hbm>> -> memref<10240x16xf32, #tpu.memory_space<hbm>>
      tpu.wait_indirect_dma semaphore(%arg12 : memref<!tpu.dma_semaphore, #tpu.memory_space<semaphore_mem>>) src(%dma_wait3A_64 : memref<10240x16xf32, #tpu.memory_space<hbm>>) dst(%arg9 : memref<128x16xf32, #tpu.memory_space<vmem>>)
      %add3A_65 = arith.constant 2 : i32
      %add3A_66 = arith.addi %mul3A_43, %add3A_65 : i32
      %lt3A = arith.constant 40 : i32
      %lt3A_67 = arith.cmpi slt, %add3A_66, %lt3A : i32
      %convert_element_type3A = arith.extui %lt3A_67 : i1 to i32
      %cond3A = arith.constant 0 : i32
      %cond3A_68 = arith.cmpi ne, %convert_element_type3A, %cond3A : i32
      scf.if %cond3A_68 {
        %add3A_71 = arith.constant 2 : i32
        %add3A_72 = arith.addi %mul3A_43, %add3A_71 : i32
        %dma_start3A_73 = arith.constant 0 : i32
        %dma_start3A_74 = tpu.memref_slice %arg6[%add3A_72, %dma_start3A_73] : memref<40x128xi32, #tpu.memory_space<vmem>> -> memref<1x128xi32, #tpu.memory_space<vmem>>
        %dma_start3A_75 = tpu.memref_squeeze %dma_start3A_74 : memref<1x128xi32, #tpu.memory_space<vmem>> -> memref<128xi32, #tpu.memory_space<vmem>>
        %dma_start3A_76 = arith.constant 0 : i32
        %dma_start3A_77 = arith.constant 0 : i32
        %dma_start3A_78 = tpu.memref_slice %arg2[%dma_start3A_76, %dma_start3A_77] : memref<10240x16xf32, #tpu.memory_space<hbm>> -> memref<10240x16xf32, #tpu.memory_space<hbm>>
        tpu.enqueue_indirect_dma source(%dma_start3A_78 : memref<10240x16xf32, #tpu.memory_space<hbm>>) target(%arg8 : memref<128x16xf32, #tpu.memory_space<vmem>>) offsets(%dma_start3A_75 : memref<128xi32, #tpu.memory_space<vmem>>) semaphore(%arg11 : memref<!tpu.dma_semaphore, #tpu.memory_space<semaphore_mem>>)
      } else {
      }
      %add3A_69 = arith.constant 1 : i32
      %add3A_70 = arith.addi %mul3A_43, %add3A_69 : i32
      "tpu.region"() ({
        %run_scoped3A = tpu.sem_alloc : memref<!tpu.dma_semaphore, #tpu.memory_space<semaphore_mem>>
        %dma_start3A_71 = arith.constant 0 : i32
        %dma_start3A_72 = tpu.memref_slice %arg7[%add3A_70, %dma_start3A_71] : memref<40x128xi32, #tpu.memory_space<vmem>> -> memref<1x128xi32, #tpu.memory_space<vmem>>
        %dma_start3A_73 = tpu.memref_squeeze %dma_start3A_72 : memref<1x128xi32, #tpu.memory_space<vmem>> -> memref<128xi32, #tpu.memory_space<vmem>>
        %dma_start3A_74 = arith.constant 0 : i32
        %dma_start3A_75 = arith.constant 0 : i32
        %dma_start3A_76 = tpu.memref_slice %arg10[%dma_start3A_74, %dma_start3A_75] : memref<10240x16xf32, #tpu.memory_space<vmem_shared>> -> memref<10240x16xf32, #tpu.memory_space<vmem_shared>>
        tpu.enqueue_indirect_dma source(%arg9 : memref<128x16xf32, #tpu.memory_space<vmem>>) target(%dma_start3A_76 : memref<10240x16xf32, #tpu.memory_space<vmem_shared>>) offsets(%dma_start3A_73 : memref<128xi32, #tpu.memory_space<vmem>>) semaphore(%run_scoped3A : memref<!tpu.dma_semaphore, #tpu.memory_space<semaphore_mem>>) {add = true}
        %dma_wait3A_77 = arith.constant 0 : i32
        %dma_wait3A_78 = tpu.memref_slice %arg7[%add3A_70, %dma_wait3A_77] : memref<40x128xi32, #tpu.memory_space<vmem>> -> memref<1x128xi32, #tpu.memory_space<vmem>>
        %dma_wait3A_79 = tpu.memref_squeeze %dma_wait3A_78 : memref<1x128xi32, #tpu.memory_space<vmem>> -> memref<128xi32, #tpu.memory_space<vmem>>
        %dma_wait3A_80 = arith.constant 0 : i32
        %dma_wait3A_81 = arith.constant 0 : i32
        %dma_wait3A_82 = tpu.memref_slice %arg10[%dma_wait3A_80, %dma_wait3A_81] : memref<10240x16xf32, #tpu.memory_space<vmem_shared>> -> memref<10240x16xf32, #tpu.memory_space<vmem_shared>>
        tpu.wait_indirect_dma semaphore(%run_scoped3A : memref<!tpu.dma_semaphore, #tpu.memory_space<semaphore_mem>>) src(%arg9 : memref<128x16xf32, #tpu.memory_space<vmem>>) dst(%dma_wait3A_82 : memref<10240x16xf32, #tpu.memory_space<vmem_shared>>)
        tpu.yield
      }) : () -> ()
    }
    %scan3A_35 = arith.constant 20 : i32
    %barrier3A_36 = arith.constant 0 : index
    tpu.barrier barrier_id(%barrier3A_36)
    %mul3A_37 = arith.constant 640 : i32
    %mul3A_38 = arith.muli %arg1, %mul3A_37 : i32
    %mul3A_39 = arith.constant 640 : i32
    %mul3A_40 = arith.muli %arg1, %mul3A_39 : i32
    "tpu.region"() ({
      %run_scoped3A = tpu.sem_alloc : memref<!tpu.dma_semaphore, #tpu.memory_space<semaphore_mem>>
      %dma_start3A_41 = arith.constant 0 : i32
      %dma_start3A_42 = tpu.memref_slice %arg5[%arg0, %mul3A_40, %dma_start3A_41] : memref<2x10240x16xf32, #tpu.memory_space<hbm>> -> memref<1x640x16xf32, #tpu.memory_space<hbm>>
      %dma_start3A_43 = tpu.memref_squeeze %dma_start3A_42 : memref<1x640x16xf32, #tpu.memory_space<hbm>> -> memref<640x16xf32, #tpu.memory_space<hbm>>
      %dma_start3A_44 = arith.constant 0 : i32
      %dma_start3A_45 = tpu.memref_slice %arg10[%mul3A_38, %dma_start3A_44] : memref<10240x16xf32, #tpu.memory_space<vmem_shared>> -> memref<640x16xf32, #tpu.memory_space<vmem_shared>>
      tpu.enqueue_dma source(%dma_start3A_45 : memref<640x16xf32, #tpu.memory_space<vmem_shared>>) target(%dma_start3A_43 : memref<640x16xf32, #tpu.memory_space<hbm>>) target_semaphore(%run_scoped3A : memref<!tpu.dma_semaphore, #tpu.memory_space<semaphore_mem>>)
      %dma_wait3A = arith.constant 0 : i32
      %dma_wait3A_46 = tpu.memref_slice %arg5[%arg0, %mul3A_40, %dma_wait3A] : memref<2x10240x16xf32, #tpu.memory_space<hbm>> -> memref<1x640x16xf32, #tpu.memory_space<hbm>>
      %dma_wait3A_47 = tpu.memref_squeeze %dma_wait3A_46 : memref<1x640x16xf32, #tpu.memory_space<hbm>> -> memref<640x16xf32, #tpu.memory_space<hbm>>
      %dma_wait3A_48 = arith.constant 0 : i32
      %dma_wait3A_49 = tpu.memref_slice %arg10[%mul3A_38, %dma_wait3A_48] : memref<10240x16xf32, #tpu.memory_space<vmem_shared>> -> memref<640x16xf32, #tpu.memory_space<vmem_shared>>
      tpu.wait_dma2 semaphore(%run_scoped3A : memref<!tpu.dma_semaphore, #tpu.memory_space<semaphore_mem>>) src(%dma_wait3A_49 : memref<640x16xf32, #tpu.memory_space<vmem_shared>>) dst(%dma_wait3A_47 : memref<640x16xf32, #tpu.memory_space<hbm>>)
      tpu.yield
    }) : () -> ()
    return
  }
}

#map = affine_map<(d0, d1) -> (0, 0)>
#map1 = affine_map<(d0, d1) -> (0, 0, 0, 0)>
#map2 = affine_map<(d0, d1) -> (0, 0, 0)>
module attributes {stable_mosaic.version = 14 : i64} {
  func.func @_scat1_body(%arg0: i32, %arg1: i32, %arg2: memref<20480x128xf32, #tpu.memory_space<hbm>>, %arg3: memref<2x16x80x128xi32, #tpu.memory_space<hbm>>, %arg4: memref<16x80x128xi32, #tpu.memory_space<hbm>>, %arg5: memref<2x10240x128xf32, #tpu.memory_space<hbm>>, %arg6: memref<16x128xi32, #tpu.memory_space<vmem>>, %arg7: memref<16x128xi32, #tpu.memory_space<vmem>>, %arg8: memref<128x128xf32, #tpu.memory_space<vmem>>, %arg9: memref<128x128xf32, #tpu.memory_space<vmem>>, %arg10: memref<10240x128xf32, #tpu.memory_space<vmem_shared>>, %arg11: memref<!tpu.dma_semaphore, #tpu.memory_space<semaphore_mem>>, %arg12: memref<!tpu.dma_semaphore, #tpu.memory_space<semaphore_mem>>) attributes {dimension_semantics = [#tpu.dimension_semantics<core_parallel>, #tpu.dimension_semantics<subcore_parallel>], iteration_bounds = array<i64: 2, 16>, scalar_prefetch = 0 : i64, scratch_operands = 7 : i64, tpu.core_type = #tpu.core_type<sc_vector_subcore>, window_params = [{transform_indices = #map}, {transform_indices = #map1}, {transform_indices = #map2}, {transform_indices = #map2}]} {
    %broadcast_in_dim3A = arith.constant 0.000000e+00 : f32
    %broadcast_in_dim3A_0 = vector.broadcast %broadcast_in_dim3A : f32 to vector<16xf32>
    %scan3A = arith.constant 0 : i32
    %scan3A_1 = arith.constant 0 : i32
    %scan3A_2 = arith.constant 1024 : i32
    %scan3A_3 = arith.addi %scan3A_1, %scan3A_2 : i32
    %scan3A_4 = arith.constant 1 : i32
    scf.for %scan3A_35 = %scan3A_1 to %scan3A_3 step %scan3A_4  : i32 {
      %jit3A = arith.constant 8 : i32
      %div3A = arith.divsi %scan3A_35, %jit3A : i32
      %sign3A = arith.constant 0 : i32
      %sign3A_36 = arith.cmpi sgt, %scan3A_35, %sign3A : i32
      %sign3A_37 = arith.extui %sign3A_36 : i1 to i32
      %sign3A_38 = arith.constant 0 : i32
      %sign3A_39 = arith.cmpi slt, %scan3A_35, %sign3A_38 : i32
      %sign3A_40 = arith.extui %sign3A_39 : i1 to i32
      %sign3A_41 = arith.subi %sign3A_37, %sign3A_40 : i32
      %sign3A_42 = arith.constant 0 : i32
      %sign3A_43 = arith.cmpi sgt, %jit3A, %sign3A_42 : i32
      %sign3A_44 = arith.extui %sign3A_43 : i1 to i32
      %sign3A_45 = arith.constant 0 : i32
      %sign3A_46 = arith.cmpi slt, %jit3A, %sign3A_45 : i32
      %sign3A_47 = arith.extui %sign3A_46 : i1 to i32
      %sign3A_48 = arith.subi %sign3A_44, %sign3A_47 : i32
      %ne3A = arith.cmpi ne, %sign3A_41, %sign3A_48 : i32
      %rem3A = arith.remsi %scan3A_35, %jit3A : i32
      %ne3A_49 = arith.constant 0 : i32
      %ne3A_50 = arith.cmpi ne, %rem3A, %ne3A_49 : i32
      %and3A = arith.andi %ne3A, %ne3A_50 : i1
      %sub3A = arith.constant 1 : i32
      %sub3A_51 = arith.subi %div3A, %sub3A : i32
      %select_n3A = arith.select %and3A, %sub3A_51, %div3A : i32
      %jit3A_52 = arith.constant 8 : i32
      %eq3A = arith.constant 0 : i32
      %eq3A_53 = arith.cmpi eq, %jit3A_52, %eq3A : i32
      %jit3A_54 = arith.constant 1 : i32
      %select_n3A_55 = arith.select %eq3A_53, %jit3A_54, %jit3A_52 : i32
      %rem3A_56 = arith.remsi %scan3A_35, %select_n3A_55 : i32
      %ne3A_57 = arith.constant 0 : i32
      %ne3A_58 = arith.cmpi ne, %rem3A_56, %ne3A_57 : i32
      %lt3A = arith.constant 0 : i32
      %lt3A_59 = arith.cmpi slt, %rem3A_56, %lt3A : i32
      %lt3A_60 = arith.constant 0 : i32
      %lt3A_61 = arith.cmpi slt, %select_n3A_55, %lt3A_60 : i32
      %ne3A_62 = arith.xori %lt3A_59, %lt3A_61 : i1
      %and3A_63 = arith.andi %ne3A_62, %ne3A_58 : i1
      %add3A_64 = arith.addi %rem3A_56, %select_n3A_55 : i32
      %select_n3A_65 = arith.select %and3A_63, %add3A_64, %rem3A_56 : i32
      %mul3A_66 = arith.constant 16 : i32
      %mul3A_67 = arith.muli %select_n3A_65, %mul3A_66 : i32
      %swap3A = arith.index_cast %select_n3A : i32 to index
      %swap3A_68 = arith.index_cast %mul3A_67 : i32 to index
      %swap3A_69 = tpu.vector_load %arg8[%swap3A, %swap3A_68] {strides = array<i32>} : memref<128x128xf32, #tpu.memory_space<vmem>>, vector<1x16xf32>,
      %swap3A_70 = vector.shape_cast %swap3A_69 : vector<1x16xf32> to vector<16xf32>
      %swap3A_71 = vector.shape_cast %broadcast_in_dim3A_0 : vector<16xf32> to vector<1x16xf32>
      tpu.vector_store %arg8[%swap3A, %swap3A_68], %swap3A_71 {strides = array<i32>} : memref<128x128xf32, #tpu.memory_space<vmem>>, vector<1x16xf32>,
    }
    %scan3A_5 = arith.constant 1024 : i32
    %mul3A = arith.constant 640 : i32
    %mul3A_6 = arith.muli %arg1, %mul3A : i32
    %add3A = arith.constant 0 : i32
    %add3A_7 = arith.addi %mul3A_6, %add3A : i32
    "tpu.region"() ({
      %run_scoped3A = tpu.sem_alloc : memref<!tpu.dma_semaphore, #tpu.memory_space<semaphore_mem>>
      %dma_start3A = arith.constant 0 : i32
      %dma_start3A_35 = tpu.memref_slice %arg10[%add3A_7, %dma_start3A] : memref<10240x128xf32, #tpu.memory_space<vmem_shared>> -> memref<128x128xf32, #tpu.memory_space<vmem_shared>>
      %dma_start3A_36 = arith.constant 0 : i32
      %dma_start3A_37 = tpu.memref_slice %arg10[%add3A_7, %dma_start3A_36] : memref<10240x128xf32, #tpu.memory_space<vmem_shared>> -> memref<128x128xf32, #tpu.memory_space<vmem_shared>>
      tpu.enqueue_dma source(%arg8 : memref<128x128xf32, #tpu.memory_space<vmem>>) target(%dma_start3A_37 : memref<128x128xf32, #tpu.memory_space<vmem_shared>>) target_semaphore(%run_scoped3A : memref<!tpu.dma_semaphore, #tpu.memory_space<semaphore_mem>>)
      %dma_wait3A = arith.constant 0 : i32
      %dma_wait3A_38 = tpu.memref_slice %arg10[%add3A_7, %dma_wait3A] : memref<10240x128xf32, #tpu.memory_space<vmem_shared>> -> memref<128x128xf32, #tpu.memory_space<vmem_shared>>
      %dma_wait3A_39 = arith.constant 0 : i32
      %dma_wait3A_40 = tpu.memref_slice %arg10[%add3A_7, %dma_wait3A_39] : memref<10240x128xf32, #tpu.memory_space<vmem_shared>> -> memref<128x128xf32, #tpu.memory_space<vmem_shared>>
      tpu.wait_dma2 semaphore(%run_scoped3A : memref<!tpu.dma_semaphore, #tpu.memory_space<semaphore_mem>>) src(%arg8 : memref<128x128xf32, #tpu.memory_space<vmem>>) dst(%dma_wait3A_40 : memref<128x128xf32, #tpu.memory_space<vmem_shared>>)
      tpu.yield
    }) : () -> ()
    %mul3A_8 = arith.constant 640 : i32
    %mul3A_9 = arith.muli %arg1, %mul3A_8 : i32
    %add3A_10 = arith.constant 128 : i32
    %add3A_11 = arith.addi %mul3A_9, %add3A_10 : i32
    "tpu.region"() ({
      %run_scoped3A = tpu.sem_alloc : memref<!tpu.dma_semaphore, #tpu.memory_space<semaphore_mem>>
      %dma_start3A = arith.constant 0 : i32
      %dma_start3A_35 = tpu.memref_slice %arg10[%add3A_11, %dma_start3A] : memref<10240x128xf32, #tpu.memory_space<vmem_shared>> -> memref<128x128xf32, #tpu.memory_space<vmem_shared>>
      %dma_start3A_36 = arith.constant 0 : i32
      %dma_start3A_37 = tpu.memref_slice %arg10[%add3A_11, %dma_start3A_36] : memref<10240x128xf32, #tpu.memory_space<vmem_shared>> -> memref<128x128xf32, #tpu.memory_space<vmem_shared>>
      tpu.enqueue_dma source(%arg8 : memref<128x128xf32, #tpu.memory_space<vmem>>) target(%dma_start3A_37 : memref<128x128xf32, #tpu.memory_space<vmem_shared>>) target_semaphore(%run_scoped3A : memref<!tpu.dma_semaphore, #tpu.memory_space<semaphore_mem>>)
      %dma_wait3A = arith.constant 0 : i32
      %dma_wait3A_38 = tpu.memref_slice %arg10[%add3A_11, %dma_wait3A] : memref<10240x128xf32, #tpu.memory_space<vmem_shared>> -> memref<128x128xf32, #tpu.memory_space<vmem_shared>>
      %dma_wait3A_39 = arith.constant 0 : i32
      %dma_wait3A_40 = tpu.memref_slice %arg10[%add3A_11, %dma_wait3A_39] : memref<10240x128xf32, #tpu.memory_space<vmem_shared>> -> memref<128x128xf32, #tpu.memory_space<vmem_shared>>
      tpu.wait_dma2 semaphore(%run_scoped3A : memref<!tpu.dma_semaphore, #tpu.memory_space<semaphore_mem>>) src(%arg8 : memref<128x128xf32, #tpu.memory_space<vmem>>) dst(%dma_wait3A_40 : memref<128x128xf32, #tpu.memory_space<vmem_shared>>)
      tpu.yield
    }) : () -> ()
    %mul3A_12 = arith.constant 640 : i32
    %mul3A_13 = arith.muli %arg1, %mul3A_12 : i32
    %add3A_14 = arith.constant 256 : i32
    %add3A_15 = arith.addi %mul3A_13, %add3A_14 : i32
    "tpu.region"() ({
      %run_scoped3A = tpu.sem_alloc : memref<!tpu.dma_semaphore, #tpu.memory_space<semaphore_mem>>
      %dma_start3A = arith.constant 0 : i32
      %dma_start3A_35 = tpu.memref_slice %arg10[%add3A_15, %dma_start3A] : memref<10240x128xf32, #tpu.memory_space<vmem_shared>> -> memref<128x128xf32, #tpu.memory_space<vmem_shared>>
      %dma_start3A_36 = arith.constant 0 : i32
      %dma_start3A_37 = tpu.memref_slice %arg10[%add3A_15, %dma_start3A_36] : memref<10240x128xf32, #tpu.memory_space<vmem_shared>> -> memref<128x128xf32, #tpu.memory_space<vmem_shared>>
      tpu.enqueue_dma source(%arg8 : memref<128x128xf32, #tpu.memory_space<vmem>>) target(%dma_start3A_37 : memref<128x128xf32, #tpu.memory_space<vmem_shared>>) target_semaphore(%run_scoped3A : memref<!tpu.dma_semaphore, #tpu.memory_space<semaphore_mem>>)
      %dma_wait3A = arith.constant 0 : i32
      %dma_wait3A_38 = tpu.memref_slice %arg10[%add3A_15, %dma_wait3A] : memref<10240x128xf32, #tpu.memory_space<vmem_shared>> -> memref<128x128xf32, #tpu.memory_space<vmem_shared>>
      %dma_wait3A_39 = arith.constant 0 : i32
      %dma_wait3A_40 = tpu.memref_slice %arg10[%add3A_15, %dma_wait3A_39] : memref<10240x128xf32, #tpu.memory_space<vmem_shared>> -> memref<128x128xf32, #tpu.memory_space<vmem_shared>>
      tpu.wait_dma2 semaphore(%run_scoped3A : memref<!tpu.dma_semaphore, #tpu.memory_space<semaphore_mem>>) src(%arg8 : memref<128x128xf32, #tpu.memory_space<vmem>>) dst(%dma_wait3A_40 : memref<128x128xf32, #tpu.memory_space<vmem_shared>>)
      tpu.yield
    }) : () -> ()
    %mul3A_16 = arith.constant 640 : i32
    %mul3A_17 = arith.muli %arg1, %mul3A_16 : i32
    %add3A_18 = arith.constant 384 : i32
    %add3A_19 = arith.addi %mul3A_17, %add3A_18 : i32
    "tpu.region"() ({
      %run_scoped3A = tpu.sem_alloc : memref<!tpu.dma_semaphore, #tpu.memory_space<semaphore_mem>>
      %dma_start3A = arith.constant 0 : i32
      %dma_start3A_35 = tpu.memref_slice %arg10[%add3A_19, %dma_start3A] : memref<10240x128xf32, #tpu.memory_space<vmem_shared>> -> memref<128x128xf32, #tpu.memory_space<vmem_shared>>
      %dma_start3A_36 = arith.constant 0 : i32
      %dma_start3A_37 = tpu.memref_slice %arg10[%add3A_19, %dma_start3A_36] : memref<10240x128xf32, #tpu.memory_space<vmem_shared>> -> memref<128x128xf32, #tpu.memory_space<vmem_shared>>
      tpu.enqueue_dma source(%arg8 : memref<128x128xf32, #tpu.memory_space<vmem>>) target(%dma_start3A_37 : memref<128x128xf32, #tpu.memory_space<vmem_shared>>) target_semaphore(%run_scoped3A : memref<!tpu.dma_semaphore, #tpu.memory_space<semaphore_mem>>)
      %dma_wait3A = arith.constant 0 : i32
      %dma_wait3A_38 = tpu.memref_slice %arg10[%add3A_19, %dma_wait3A] : memref<10240x128xf32, #tpu.memory_space<vmem_shared>> -> memref<128x128xf32, #tpu.memory_space<vmem_shared>>
      %dma_wait3A_39 = arith.constant 0 : i32
      %dma_wait3A_40 = tpu.memref_slice %arg10[%add3A_19, %dma_wait3A_39] : memref<10240x128xf32, #tpu.memory_space<vmem_shared>> -> memref<128x128xf32, #tpu.memory_space<vmem_shared>>
      tpu.wait_dma2 semaphore(%run_scoped3A : memref<!tpu.dma_semaphore, #tpu.memory_space<semaphore_mem>>) src(%arg8 : memref<128x128xf32, #tpu.memory_space<vmem>>) dst(%dma_wait3A_40 : memref<128x128xf32, #tpu.memory_space<vmem_shared>>)
      tpu.yield
    }) : () -> ()
    %mul3A_20 = arith.constant 640 : i32
    %mul3A_21 = arith.muli %arg1, %mul3A_20 : i32
    %add3A_22 = arith.constant 512 : i32
    %add3A_23 = arith.addi %mul3A_21, %add3A_22 : i32
    "tpu.region"() ({
      %run_scoped3A = tpu.sem_alloc : memref<!tpu.dma_semaphore, #tpu.memory_space<semaphore_mem>>
      %dma_start3A = arith.constant 0 : i32
      %dma_start3A_35 = tpu.memref_slice %arg10[%add3A_23, %dma_start3A] : memref<10240x128xf32, #tpu.memory_space<vmem_shared>> -> memref<128x128xf32, #tpu.memory_space<vmem_shared>>
      %dma_start3A_36 = arith.constant 0 : i32
      %dma_start3A_37 = tpu.memref_slice %arg10[%add3A_23, %dma_start3A_36] : memref<10240x128xf32, #tpu.memory_space<vmem_shared>> -> memref<128x128xf32, #tpu.memory_space<vmem_shared>>
      tpu.enqueue_dma source(%arg8 : memref<128x128xf32, #tpu.memory_space<vmem>>) target(%dma_start3A_37 : memref<128x128xf32, #tpu.memory_space<vmem_shared>>) target_semaphore(%run_scoped3A : memref<!tpu.dma_semaphore, #tpu.memory_space<semaphore_mem>>)
      %dma_wait3A = arith.constant 0 : i32
      %dma_wait3A_38 = tpu.memref_slice %arg10[%add3A_23, %dma_wait3A] : memref<10240x128xf32, #tpu.memory_space<vmem_shared>> -> memref<128x128xf32, #tpu.memory_space<vmem_shared>>
      %dma_wait3A_39 = arith.constant 0 : i32
      %dma_wait3A_40 = tpu.memref_slice %arg10[%add3A_23, %dma_wait3A_39] : memref<10240x128xf32, #tpu.memory_space<vmem_shared>> -> memref<128x128xf32, #tpu.memory_space<vmem_shared>>
      tpu.wait_dma2 semaphore(%run_scoped3A : memref<!tpu.dma_semaphore, #tpu.memory_space<semaphore_mem>>) src(%arg8 : memref<128x128xf32, #tpu.memory_space<vmem>>) dst(%dma_wait3A_40 : memref<128x128xf32, #tpu.memory_space<vmem_shared>>)
      tpu.yield
    }) : () -> ()
    %barrier3A = arith.constant 0 : index
    tpu.barrier barrier_id(%barrier3A)
    %scan3A_24 = arith.constant 0 : i32
    %scan3A_25 = arith.constant 0 : i32
    %scan3A_26 = arith.constant 5 : i32
    %scan3A_27 = arith.addi %scan3A_25, %scan3A_26 : i32
    %scan3A_28 = arith.constant 1 : i32
    scf.for %scan3A_35 = %scan3A_25 to %scan3A_27 step %scan3A_28  : i32 {
      %mul3A_36 = arith.constant 16 : i32
      %mul3A_37 = arith.muli %scan3A_35, %mul3A_36 : i32
      "tpu.region"() ({
        %run_scoped3A = tpu.sem_alloc : memref<!tpu.dma_semaphore, #tpu.memory_space<semaphore_mem>>
        %dma_start3A_52 = arith.constant 0 : i32
        %dma_start3A_53 = tpu.memref_slice %arg3[%arg0, %arg1, %mul3A_37, %dma_start3A_52] : memref<2x16x80x128xi32, #tpu.memory_space<hbm>> -> memref<1x1x16x128xi32, #tpu.memory_space<hbm>>
        %dma_start3A_54 = tpu.memref_squeeze %dma_start3A_53 : memref<1x1x16x128xi32, #tpu.memory_space<hbm>> -> memref<16x128xi32, #tpu.memory_space<hbm>>
        %dma_start3A_55 = arith.constant 0 : i32
        %dma_start3A_56 = tpu.memref_slice %arg3[%arg0, %arg1, %mul3A_37, %dma_start3A_55] : memref<2x16x80x128xi32, #tpu.memory_space<hbm>> -> memref<1x1x16x128xi32, #tpu.memory_space<hbm>>
        %dma_start3A_57 = tpu.memref_squeeze %dma_start3A_56 : memref<1x1x16x128xi32, #tpu.memory_space<hbm>> -> memref<16x128xi32, #tpu.memory_space<hbm>>
        tpu.enqueue_dma source(%dma_start3A_57 : memref<16x128xi32, #tpu.memory_space<hbm>>) target(%arg6 : memref<16x128xi32, #tpu.memory_space<vmem>>) target_semaphore(%run_scoped3A : memref<!tpu.dma_semaphore, #tpu.memory_space<semaphore_mem>>)
        %dma_wait3A = arith.constant 0 : i32
        %dma_wait3A_58 = tpu.memref_slice %arg3[%arg0, %arg1, %mul3A_37, %dma_wait3A] : memref<2x16x80x128xi32, #tpu.memory_space<hbm>> -> memref<1x1x16x128xi32, #tpu.memory_space<hbm>>
        %dma_wait3A_59 = tpu.memref_squeeze %dma_wait3A_58 : memref<1x1x16x128xi32, #tpu.memory_space<hbm>> -> memref<16x128xi32, #tpu.memory_space<hbm>>
        %dma_wait3A_60 = arith.constant 0 : i32
        %dma_wait3A_61 = tpu.memref_slice %arg3[%arg0, %arg1, %mul3A_37, %dma_wait3A_60] : memref<2x16x80x128xi32, #tpu.memory_space<hbm>> -> memref<1x1x16x128xi32, #tpu.memory_space<hbm>>
        %dma_wait3A_62 = tpu.memref_squeeze %dma_wait3A_61 : memref<1x1x16x128xi32, #tpu.memory_space<hbm>> -> memref<16x128xi32, #tpu.memory_space<hbm>>
        tpu.wait_dma2 semaphore(%run_scoped3A : memref<!tpu.dma_semaphore, #tpu.memory_space<semaphore_mem>>) src(%dma_wait3A_62 : memref<16x128xi32, #tpu.memory_space<hbm>>) dst(%arg6 : memref<16x128xi32, #tpu.memory_space<vmem>>)
        tpu.yield
      }) : () -> ()
      %mul3A_38 = arith.constant 16 : i32
      %mul3A_39 = arith.muli %scan3A_35, %mul3A_38 : i32
      "tpu.region"() ({
        %run_scoped3A = tpu.sem_alloc : memref<!tpu.dma_semaphore, #tpu.memory_space<semaphore_mem>>
        %dma_start3A_52 = arith.constant 0 : i32
        %dma_start3A_53 = tpu.memref_slice %arg4[%arg1, %mul3A_39, %dma_start3A_52] : memref<16x80x128xi32, #tpu.memory_space<hbm>> -> memref<1x16x128xi32, #tpu.memory_space<hbm>>
        %dma_start3A_54 = tpu.memref_squeeze %dma_start3A_53 : memref<1x16x128xi32, #tpu.memory_space<hbm>> -> memref<16x128xi32, #tpu.memory_space<hbm>>
        %dma_start3A_55 = arith.constant 0 : i32
        %dma_start3A_56 = tpu.memref_slice %arg4[%arg1, %mul3A_39, %dma_start3A_55] : memref<16x80x128xi32, #tpu.memory_space<hbm>> -> memref<1x16x128xi32, #tpu.memory_space<hbm>>
        %dma_start3A_57 = tpu.memref_squeeze %dma_start3A_56 : memref<1x16x128xi32, #tpu.memory_space<hbm>> -> memref<16x128xi32, #tpu.memory_space<hbm>>
        tpu.enqueue_dma source(%dma_start3A_57 : memref<16x128xi32, #tpu.memory_space<hbm>>) target(%arg7 : memref<16x128xi32, #tpu.memory_space<vmem>>) target_semaphore(%run_scoped3A : memref<!tpu.dma_semaphore, #tpu.memory_space<semaphore_mem>>)
        %dma_wait3A = arith.constant 0 : i32
        %dma_wait3A_58 = tpu.memref_slice %arg4[%arg1, %mul3A_39, %dma_wait3A] : memref<16x80x128xi32, #tpu.memory_space<hbm>> -> memref<1x16x128xi32, #tpu.memory_space<hbm>>
        %dma_wait3A_59 = tpu.memref_squeeze %dma_wait3A_58 : memref<1x16x128xi32, #tpu.memory_space<hbm>> -> memref<16x128xi32, #tpu.memory_space<hbm>>
        %dma_wait3A_60 = arith.constant 0 : i32
        %dma_wait3A_61 = tpu.memref_slice %arg4[%arg1, %mul3A_39, %dma_wait3A_60] : memref<16x80x128xi32, #tpu.memory_space<hbm>> -> memref<1x16x128xi32, #tpu.memory_space<hbm>>
        %dma_wait3A_62 = tpu.memref_squeeze %dma_wait3A_61 : memref<1x16x128xi32, #tpu.memory_space<hbm>> -> memref<16x128xi32, #tpu.memory_space<hbm>>
        tpu.wait_dma2 semaphore(%run_scoped3A : memref<!tpu.dma_semaphore, #tpu.memory_space<semaphore_mem>>) src(%dma_wait3A_62 : memref<16x128xi32, #tpu.memory_space<hbm>>) dst(%arg7 : memref<16x128xi32, #tpu.memory_space<vmem>>)
        tpu.yield
      }) : () -> ()
      %dma_start3A = arith.constant 0 : i32
      %dma_start3A_40 = arith.constant 0 : i32
      %dma_start3A_41 = tpu.memref_slice %arg6[%dma_start3A, %dma_start3A_40] : memref<16x128xi32, #tpu.memory_space<vmem>> -> memref<1x128xi32, #tpu.memory_space<vmem>>
      %dma_start3A_42 = tpu.memref_squeeze %dma_start3A_41 : memref<1x128xi32, #tpu.memory_space<vmem>> -> memref<128xi32, #tpu.memory_space<vmem>>
      %dma_start3A_43 = arith.constant 0 : i32
      %dma_start3A_44 = arith.constant 0 : i32
      %dma_start3A_45 = tpu.memref_slice %arg2[%dma_start3A_43, %dma_start3A_44] : memref<20480x128xf32, #tpu.memory_space<hbm>> -> memref<20480x128xf32, #tpu.memory_space<hbm>>
      tpu.enqueue_indirect_dma source(%dma_start3A_45 : memref<20480x128xf32, #tpu.memory_space<hbm>>) target(%arg8 : memref<128x128xf32, #tpu.memory_space<vmem>>) offsets(%dma_start3A_42 : memref<128xi32, #tpu.memory_space<vmem>>) semaphore(%arg11 : memref<!tpu.dma_semaphore, #tpu.memory_space<semaphore_mem>>)
      %scan3A_46 = arith.constant 0 : i32
      %scan3A_47 = arith.constant 0 : i32
      %scan3A_48 = arith.constant 8 : i32
      %scan3A_49 = arith.addi %scan3A_47, %scan3A_48 : i32
      %scan3A_50 = arith.constant 1 : i32
      scf.for %scan3A_52 = %scan3A_47 to %scan3A_49 step %scan3A_50  : i32 {
        %mul3A_53 = arith.constant 2 : i32
        %mul3A_54 = arith.muli %scan3A_52, %mul3A_53 : i32
        %dma_wait3A = arith.constant 0 : i32
        %dma_wait3A_55 = tpu.memref_slice %arg6[%mul3A_54, %dma_wait3A] : memref<16x128xi32, #tpu.memory_space<vmem>> -> memref<1x128xi32, #tpu.memory_space<vmem>>
        %dma_wait3A_56 = tpu.memref_squeeze %dma_wait3A_55 : memref<1x128xi32, #tpu.memory_space<vmem>> -> memref<128xi32, #tpu.memory_space<vmem>>
        %dma_wait3A_57 = arith.constant 0 : i32
        %dma_wait3A_58 = arith.constant 0 : i32
        %dma_wait3A_59 = tpu.memref_slice %arg2[%dma_wait3A_57, %dma_wait3A_58] : memref<20480x128xf32, #tpu.memory_space<hbm>> -> memref<20480x128xf32, #tpu.memory_space<hbm>>
        tpu.wait_indirect_dma semaphore(%arg11 : memref<!tpu.dma_semaphore, #tpu.memory_space<semaphore_mem>>) src(%dma_wait3A_59 : memref<20480x128xf32, #tpu.memory_space<hbm>>) dst(%arg8 : memref<128x128xf32, #tpu.memory_space<vmem>>)
        %add3A_60 = arith.constant 1 : i32
        %add3A_61 = arith.addi %mul3A_54, %add3A_60 : i32
        %dma_start3A_62 = arith.constant 0 : i32
        %dma_start3A_63 = tpu.memref_slice %arg6[%add3A_61, %dma_start3A_62] : memref<16x128xi32, #tpu.memory_space<vmem>> -> memref<1x128xi32, #tpu.memory_space<vmem>>
        %dma_start3A_64 = tpu.memref_squeeze %dma_start3A_63 : memref<1x128xi32, #tpu.memory_space<vmem>> -> memref<128xi32, #tpu.memory_space<vmem>>
        %dma_start3A_65 = arith.constant 0 : i32
        %dma_start3A_66 = arith.constant 0 : i32
        %dma_start3A_67 = tpu.memref_slice %arg2[%dma_start3A_65, %dma_start3A_66] : memref<20480x128xf32, #tpu.memory_space<hbm>> -> memref<20480x128xf32, #tpu.memory_space<hbm>>
        tpu.enqueue_indirect_dma source(%dma_start3A_67 : memref<20480x128xf32, #tpu.memory_space<hbm>>) target(%arg9 : memref<128x128xf32, #tpu.memory_space<vmem>>) offsets(%dma_start3A_64 : memref<128xi32, #tpu.memory_space<vmem>>) semaphore(%arg12 : memref<!tpu.dma_semaphore, #tpu.memory_space<semaphore_mem>>)
        "tpu.region"() ({
          %run_scoped3A = tpu.sem_alloc : memref<!tpu.dma_semaphore, #tpu.memory_space<semaphore_mem>>
          %dma_start3A_82 = arith.constant 0 : i32
          %dma_start3A_83 = tpu.memref_slice %arg7[%mul3A_54, %dma_start3A_82] : memref<16x128xi32, #tpu.memory_space<vmem>> -> memref<1x128xi32, #tpu.memory_space<vmem>>
          %dma_start3A_84 = tpu.memref_squeeze %dma_start3A_83 : memref<1x128xi32, #tpu.memory_space<vmem>> -> memref<128xi32, #tpu.memory_space<vmem>>
          %dma_start3A_85 = arith.constant 0 : i32
          %dma_start3A_86 = arith.constant 0 : i32
          %dma_start3A_87 = tpu.memref_slice %arg10[%dma_start3A_85, %dma_start3A_86] : memref<10240x128xf32, #tpu.memory_space<vmem_shared>> -> memref<10240x128xf32, #tpu.memory_space<vmem_shared>>
          tpu.enqueue_indirect_dma source(%arg8 : memref<128x128xf32, #tpu.memory_space<vmem>>) target(%dma_start3A_87 : memref<10240x128xf32, #tpu.memory_space<vmem_shared>>) offsets(%dma_start3A_84 : memref<128xi32, #tpu.memory_space<vmem>>) semaphore(%run_scoped3A : memref<!tpu.dma_semaphore, #tpu.memory_space<semaphore_mem>>) {add = true}
          %dma_wait3A_88 = arith.constant 0 : i32
          %dma_wait3A_89 = tpu.memref_slice %arg7[%mul3A_54, %dma_wait3A_88] : memref<16x128xi32, #tpu.memory_space<vmem>> -> memref<1x128xi32, #tpu.memory_space<vmem>>
          %dma_wait3A_90 = tpu.memref_squeeze %dma_wait3A_89 : memref<1x128xi32, #tpu.memory_space<vmem>> -> memref<128xi32, #tpu.memory_space<vmem>>
          %dma_wait3A_91 = arith.constant 0 : i32
          %dma_wait3A_92 = arith.constant 0 : i32
          %dma_wait3A_93 = tpu.memref_slice %arg10[%dma_wait3A_91, %dma_wait3A_92] : memref<10240x128xf32, #tpu.memory_space<vmem_shared>> -> memref<10240x128xf32, #tpu.memory_space<vmem_shared>>
          tpu.wait_indirect_dma semaphore(%run_scoped3A : memref<!tpu.dma_semaphore, #tpu.memory_space<semaphore_mem>>) src(%arg8 : memref<128x128xf32, #tpu.memory_space<vmem>>) dst(%dma_wait3A_93 : memref<10240x128xf32, #tpu.memory_space<vmem_shared>>)
          tpu.yield
        }) : () -> ()
        %add3A_68 = arith.constant 1 : i32
        %add3A_69 = arith.addi %mul3A_54, %add3A_68 : i32
        %dma_wait3A_70 = arith.constant 0 : i32
        %dma_wait3A_71 = tpu.memref_slice %arg6[%add3A_69, %dma_wait3A_70] : memref<16x128xi32, #tpu.memory_space<vmem>> -> memref<1x128xi32, #tpu.memory_space<vmem>>
        %dma_wait3A_72 = tpu.memref_squeeze %dma_wait3A_71 : memref<1x128xi32, #tpu.memory_space<vmem>> -> memref<128xi32, #tpu.memory_space<vmem>>
        %dma_wait3A_73 = arith.constant 0 : i32
        %dma_wait3A_74 = arith.constant 0 : i32
        %dma_wait3A_75 = tpu.memref_slice %arg2[%dma_wait3A_73, %dma_wait3A_74] : memref<20480x128xf32, #tpu.memory_space<hbm>> -> memref<20480x128xf32, #tpu.memory_space<hbm>>
        tpu.wait_indirect_dma semaphore(%arg12 : memref<!tpu.dma_semaphore, #tpu.memory_space<semaphore_mem>>) src(%dma_wait3A_75 : memref<20480x128xf32, #tpu.memory_space<hbm>>) dst(%arg9 : memref<128x128xf32, #tpu.memory_space<vmem>>)
        %add3A_76 = arith.constant 2 : i32
        %add3A_77 = arith.addi %mul3A_54, %add3A_76 : i32
        %lt3A = arith.constant 16 : i32
        %lt3A_78 = arith.cmpi slt, %add3A_77, %lt3A : i32
        %convert_element_type3A = arith.extui %lt3A_78 : i1 to i32
        %cond3A = arith.constant 0 : i32
        %cond3A_79 = arith.cmpi ne, %convert_element_type3A, %cond3A : i32
        scf.if %cond3A_79 {
          %add3A_82 = arith.constant 2 : i32
          %add3A_83 = arith.addi %mul3A_54, %add3A_82 : i32
          %dma_start3A_84 = arith.constant 0 : i32
          %dma_start3A_85 = tpu.memref_slice %arg6[%add3A_83, %dma_start3A_84] : memref<16x128xi32, #tpu.memory_space<vmem>> -> memref<1x128xi32, #tpu.memory_space<vmem>>
          %dma_start3A_86 = tpu.memref_squeeze %dma_start3A_85 : memref<1x128xi32, #tpu.memory_space<vmem>> -> memref<128xi32, #tpu.memory_space<vmem>>
          %dma_start3A_87 = arith.constant 0 : i32
          %dma_start3A_88 = arith.constant 0 : i32
          %dma_start3A_89 = tpu.memref_slice %arg2[%dma_start3A_87, %dma_start3A_88] : memref<20480x128xf32, #tpu.memory_space<hbm>> -> memref<20480x128xf32, #tpu.memory_space<hbm>>
          tpu.enqueue_indirect_dma source(%dma_start3A_89 : memref<20480x128xf32, #tpu.memory_space<hbm>>) target(%arg8 : memref<128x128xf32, #tpu.memory_space<vmem>>) offsets(%dma_start3A_86 : memref<128xi32, #tpu.memory_space<vmem>>) semaphore(%arg11 : memref<!tpu.dma_semaphore, #tpu.memory_space<semaphore_mem>>)
        } else {
        }
        %add3A_80 = arith.constant 1 : i32
        %add3A_81 = arith.addi %mul3A_54, %add3A_80 : i32
        "tpu.region"() ({
          %run_scoped3A = tpu.sem_alloc : memref<!tpu.dma_semaphore, #tpu.memory_space<semaphore_mem>>
          %dma_start3A_82 = arith.constant 0 : i32
          %dma_start3A_83 = tpu.memref_slice %arg7[%add3A_81, %dma_start3A_82] : memref<16x128xi32, #tpu.memory_space<vmem>> -> memref<1x128xi32, #tpu.memory_space<vmem>>
          %dma_start3A_84 = tpu.memref_squeeze %dma_start3A_83 : memref<1x128xi32, #tpu.memory_space<vmem>> -> memref<128xi32, #tpu.memory_space<vmem>>
          %dma_start3A_85 = arith.constant 0 : i32
          %dma_start3A_86 = arith.constant 0 : i32
          %dma_start3A_87 = tpu.memref_slice %arg10[%dma_start3A_85, %dma_start3A_86] : memref<10240x128xf32, #tpu.memory_space<vmem_shared>> -> memref<10240x128xf32, #tpu.memory_space<vmem_shared>>
          tpu.enqueue_indirect_dma source(%arg9 : memref<128x128xf32, #tpu.memory_space<vmem>>) target(%dma_start3A_87 : memref<10240x128xf32, #tpu.memory_space<vmem_shared>>) offsets(%dma_start3A_84 : memref<128xi32, #tpu.memory_space<vmem>>) semaphore(%run_scoped3A : memref<!tpu.dma_semaphore, #tpu.memory_space<semaphore_mem>>) {add = true}
          %dma_wait3A_88 = arith.constant 0 : i32
          %dma_wait3A_89 = tpu.memref_slice %arg7[%add3A_81, %dma_wait3A_88] : memref<16x128xi32, #tpu.memory_space<vmem>> -> memref<1x128xi32, #tpu.memory_space<vmem>>
          %dma_wait3A_90 = tpu.memref_squeeze %dma_wait3A_89 : memref<1x128xi32, #tpu.memory_space<vmem>> -> memref<128xi32, #tpu.memory_space<vmem>>
          %dma_wait3A_91 = arith.constant 0 : i32
          %dma_wait3A_92 = arith.constant 0 : i32
          %dma_wait3A_93 = tpu.memref_slice %arg10[%dma_wait3A_91, %dma_wait3A_92] : memref<10240x128xf32, #tpu.memory_space<vmem_shared>> -> memref<10240x128xf32, #tpu.memory_space<vmem_shared>>
          tpu.wait_indirect_dma semaphore(%run_scoped3A : memref<!tpu.dma_semaphore, #tpu.memory_space<semaphore_mem>>) src(%arg9 : memref<128x128xf32, #tpu.memory_space<vmem>>) dst(%dma_wait3A_93 : memref<10240x128xf32, #tpu.memory_space<vmem_shared>>)
          tpu.yield
        }) : () -> ()
      }
      %scan3A_51 = arith.constant 8 : i32
    }
    %scan3A_29 = arith.constant 5 : i32
    %barrier3A_30 = arith.constant 0 : index
    tpu.barrier barrier_id(%barrier3A_30)
    %mul3A_31 = arith.constant 640 : i32
    %mul3A_32 = arith.muli %arg1, %mul3A_31 : i32
    %mul3A_33 = arith.constant 640 : i32
    %mul3A_34 = arith.muli %arg1, %mul3A_33 : i32
    "tpu.region"() ({
      %run_scoped3A = tpu.sem_alloc : memref<!tpu.dma_semaphore, #tpu.memory_space<semaphore_mem>>
      %dma_start3A = arith.constant 0 : i32
      %dma_start3A_35 = tpu.memref_slice %arg5[%arg0, %mul3A_34, %dma_start3A] : memref<2x10240x128xf32, #tpu.memory_space<hbm>> -> memref<1x640x128xf32, #tpu.memory_space<hbm>>
      %dma_start3A_36 = tpu.memref_squeeze %dma_start3A_35 : memref<1x640x128xf32, #tpu.memory_space<hbm>> -> memref<640x128xf32, #tpu.memory_space<hbm>>
      %dma_start3A_37 = arith.constant 0 : i32
      %dma_start3A_38 = tpu.memref_slice %arg10[%mul3A_32, %dma_start3A_37] : memref<10240x128xf32, #tpu.memory_space<vmem_shared>> -> memref<640x128xf32, #tpu.memory_space<vmem_shared>>
      tpu.enqueue_dma source(%dma_start3A_38 : memref<640x128xf32, #tpu.memory_space<vmem_shared>>) target(%dma_start3A_36 : memref<640x128xf32, #tpu.memory_space<hbm>>) target_semaphore(%run_scoped3A : memref<!tpu.dma_semaphore, #tpu.memory_space<semaphore_mem>>)
      %dma_wait3A = arith.constant 0 : i32
      %dma_wait3A_39 = tpu.memref_slice %arg5[%arg0, %mul3A_34, %dma_wait3A] : memref<2x10240x128xf32, #tpu.memory_space<hbm>> -> memref<1x640x128xf32, #tpu.memory_space<hbm>>
      %dma_wait3A_40 = tpu.memref_squeeze %dma_wait3A_39 : memref<1x640x128xf32, #tpu.memory_space<hbm>> -> memref<640x128xf32, #tpu.memory_space<hbm>>
      %dma_wait3A_41 = arith.constant 0 : i32
      %dma_wait3A_42 = tpu.memref_slice %arg10[%mul3A_32, %dma_wait3A_41] : memref<10240x128xf32, #tpu.memory_space<vmem_shared>> -> memref<640x128xf32, #tpu.memory_space<vmem_shared>>
      tpu.wait_dma2 semaphore(%run_scoped3A : memref<!tpu.dma_semaphore, #tpu.memory_space<semaphore_mem>>) src(%dma_wait3A_42 : memref<640x128xf32, #tpu.memory_space<vmem_shared>>) dst(%dma_wait3A_40 : memref<640x128xf32, #tpu.memory_space<hbm>>)
      tpu.yield
    }) : () -> ()
    return
  }
}

module attributes {stable_mosaic.version = 14 : i64} {
  func.func @_g1_body(%arg0: i32, %arg1: memref<1024x256xf32, #tpu.memory_space<vmem>>, %arg2: memref<256x256xf32, #tpu.memory_space<vmem>>, %arg3: memref<1024x1xf32, #tpu.memory_space<vmem>>, %arg4: memref<2x1024x128xf32, #tpu.memory_space<vmem>>) attributes {dimension_semantics = [#tpu.dimension_semantics<arbitrary>], iteration_bounds = array<i64: 10>, scalar_prefetch = 0 : i64, scratch_operands = 0 : i64, tpu.core_type = #tpu.core_type<tc>, window_params = [{transform_indices = @transform_0, window_bounds = array<i64: 1024, 256>}, {pipeline_mode = #tpu.pipeline_mode<synchronous>, transform_indices = @transform_1, window_bounds = array<i64: 256, 256>}, {transform_indices = @transform_2, window_bounds = array<i64: 1024, 1>}, {transform_indices = @transform_3, window_bounds = array<i64: 2, 1024, 128>}]} {
    %get3A = arith.constant 0 : index
    %get3A_0 = arith.constant 0 : index
    %get3A_1 = vector.load %arg3[%get3A, %get3A_0] : memref<1024x1xf32, #tpu.memory_space<vmem>>, vector<1024x1xf32>
    %get3A_2 = arith.constant 0 : index
    %get3A_3 = arith.constant 0 : index
    %get3A_4 = vector.load %arg1[%get3A_2, %get3A_3] : memref<1024x256xf32, #tpu.memory_space<vmem>>, vector<1024x256xf32>
    %convert_element_type3A = arith.truncf %get3A_4 : vector<1024x256xf32> to vector<1024x256xbf16>
    %get3A_5 = arith.constant 0 : index
    %get3A_6 = arith.constant 0 : index
    %get3A_7 = vector.load %arg2[%get3A_5, %get3A_6] : memref<256x256xf32, #tpu.memory_space<vmem>>, vector<256x256xf32>
    %convert_element_type3A_8 = arith.truncf %get3A_7 : vector<256x256xf32> to vector<256x256xbf16>
    %dot_general3A = arith.constant dense<0.000000e+00> : vector<1024x256xf32>
    %dot_general3A_9 = tpu.matmul %convert_element_type3A, %convert_element_type3A_8, %dot_general3A {dimension_numbers = #tpu.dot_dimension_numbers<[1], [0], [0], [1], [0, 0, 1, 1], [], []>, transpose_lhs_hint = false} : vector<1024x256xbf16>, vector<256x256xbf16>, vector<1024x256xf32> -> vector<1024x256xf32>
    %mul3A = vector.broadcast %get3A_1 : vector<1024x1xf32> to vector<1024x256xf32>
    %mul3A_10 = arith.mulf %dot_general3A_9, %mul3A : vector<1024x256xf32>
    %slice3A = vector.extract_strided_slice %mul3A_10 {offsets = [0, 0], sizes = [1024, 128], strides = [1, 1]} : vector<1024x256xf32> to vector<1024x128xf32>
    %swap3A = arith.constant 0 : index
    %swap3A_11 = arith.constant 0 : index
    %swap3A_12 = arith.constant 0 : index
    %swap3A_13 = vector.load %arg4[%swap3A, %swap3A_11, %swap3A_12] : memref<2x1024x128xf32, #tpu.memory_space<vmem>>, vector<1x1024x128xf32>
    %swap3A_14 = vector.shape_cast %swap3A_13 : vector<1x1024x128xf32> to vector<1024x128xf32>
    %swap3A_15 = vector.shape_cast %slice3A : vector<1024x128xf32> to vector<1x1024x128xf32>
    tpu.vector_store %arg4[%swap3A, %swap3A_11, %swap3A_12], %swap3A_15 {strides = array<i32>} : memref<2x1024x128xf32, #tpu.memory_space<vmem>>, vector<1x1024x128xf32>,
    %slice3A_16 = vector.extract_strided_slice %mul3A_10 {offsets = [0, 128], sizes = [1024, 128], strides = [1, 1]} : vector<1024x256xf32> to vector<1024x128xf32>
    %swap3A_17 = arith.constant 1 : index
    %swap3A_18 = arith.constant 0 : index
    %swap3A_19 = arith.constant 0 : index
    %swap3A_20 = vector.load %arg4[%swap3A_17, %swap3A_18, %swap3A_19] : memref<2x1024x128xf32, #tpu.memory_space<vmem>>, vector<1x1024x128xf32>
    %swap3A_21 = vector.shape_cast %swap3A_20 : vector<1x1024x128xf32> to vector<1024x128xf32>
    %swap3A_22 = vector.shape_cast %slice3A_16 : vector<1024x128xf32> to vector<1x1024x128xf32>
    tpu.vector_store %arg4[%swap3A_17, %swap3A_18, %swap3A_19], %swap3A_22 {strides = array<i32>} : memref<2x1024x128xf32, #tpu.memory_space<vmem>>, vector<1x1024x128xf32>,
    return
  }
  func.func @transform_0(%arg0: i32) -> (i32, i32) {
    %c0_i32 = arith.constant 0 : i32
    %c0_i32_0 = arith.constant 0 : i32
    return %arg0, %c0_i32 : i32, i32
  }
  func.func @transform_1(%arg0: i32) -> (i32, i32) {
    %c0_i32 = arith.constant 0 : i32
    %c0_i32_0 = arith.constant 0 : i32
    %c0_i32_1 = arith.constant 0 : i32
    return %c0_i32, %c0_i32_0 : i32, i32
  }
  func.func @transform_2(%arg0: i32) -> (i32, i32) {
    %c0_i32 = arith.constant 0 : i32
    %c0_i32_0 = arith.constant 0 : i32
    return %arg0, %c0_i32 : i32, i32
  }
  func.func @transform_3(%arg0: i32) -> (i32, i32, i32) {
    %c0_i32 = arith.constant 0 : i32
    %c0_i32_0 = arith.constant 0 : i32
    %c0_i32_1 = arith.constant 0 : i32
    return %c0_i32, %arg0, %c0_i32_0 : i32, i32, i32
  }
}

module attributes {stable_mosaic.version = 14 : i64} {
  func.func @_h2_body(%arg0: i32, %arg1: memref<2x1024x128xf32, #tpu.memory_space<vmem>>, %arg2: memref<1024x128xf32, #tpu.memory_space<vmem>>, %arg3: memref<1024x128xf32, #tpu.memory_space<vmem>>, %arg4: memref<1024x1xf32, #tpu.memory_space<vmem>>, %arg5: memref<1x256xf32, #tpu.memory_space<vmem>>, %arg6: memref<256x16xf32, #tpu.memory_space<vmem>>, %arg7: memref<1024x16xf32, #tpu.memory_space<vmem>>) attributes {dimension_semantics = [#tpu.dimension_semantics<arbitrary>], iteration_bounds = array<i64: 10>, scalar_prefetch = 0 : i64, scratch_operands = 0 : i64, tpu.core_type = #tpu.core_type<tc>, window_params = [{transform_indices = @transform_0, window_bounds = array<i64: 2, 1024, 128>}, {transform_indices = @transform_1, window_bounds = array<i64: 1024, 128>}, {transform_indices = @transform_2, window_bounds = array<i64: 1024, 128>}, {transform_indices = @transform_3, window_bounds = array<i64: 1024, 1>}, {pipeline_mode = #tpu.pipeline_mode<synchronous>, transform_indices = @transform_4, window_bounds = array<i64: 1, 256>}, {pipeline_mode = #tpu.pipeline_mode<synchronous>, transform_indices = @transform_5, window_bounds = array<i64: 256, 16>}, {transform_indices = @transform_6, window_bounds = array<i64: 1024, 16>}]} {
    %get3A = arith.constant 0 : index
    %get3A_0 = arith.constant 0 : index
    %get3A_1 = arith.constant 0 : index
    %get3A_2 = vector.load %arg1[%get3A, %get3A_0, %get3A_1] : memref<2x1024x128xf32, #tpu.memory_space<vmem>>, vector<2x1024x128xf32>
    %slice3A = vector.extract_strided_slice %get3A_2 {offsets = [0, 0, 0], sizes = [1, 1024, 128], strides = [1, 1, 1]} : vector<2x1024x128xf32> to vector<1x1024x128xf32>
    %squeeze3A = vector.shape_cast %slice3A : vector<1x1024x128xf32> to vector<1024x128xf32>
    %get3A_3 = arith.constant 0 : index
    %get3A_4 = arith.constant 0 : index
    %get3A_5 = vector.load %arg2[%get3A_3, %get3A_4] : memref<1024x128xf32, #tpu.memory_space<vmem>>, vector<1024x128xf32>
    %add3A = arith.addf %squeeze3A, %get3A_5 : vector<1024x128xf32>
    %slice3A_6 = vector.extract_strided_slice %get3A_2 {offsets = [1, 0, 0], sizes = [1, 1024, 128], strides = [1, 1, 1]} : vector<2x1024x128xf32> to vector<1x1024x128xf32>
    %squeeze3A_7 = vector.shape_cast %slice3A_6 : vector<1x1024x128xf32> to vector<1024x128xf32>
    %get3A_8 = arith.constant 0 : index
    %get3A_9 = arith.constant 0 : index
    %get3A_10 = vector.load %arg3[%get3A_8, %get3A_9] : memref<1024x128xf32, #tpu.memory_space<vmem>>, vector<1024x128xf32>
    %add3A_11 = arith.addf %squeeze3A_7, %get3A_10 : vector<1024x128xf32>
    %concatenate3A = tpu.concatenate %add3A, %add3A_11 in 1 : vector<1024x128xf32>, vector<1024x128xf32> -> vector<1024x256xf32>
    %get3A_12 = arith.constant 0 : index
    %get3A_13 = arith.constant 0 : index
    %get3A_14 = vector.load %arg4[%get3A_12, %get3A_13] : memref<1024x1xf32, #tpu.memory_space<vmem>>, vector<1024x1xf32>
    %mul3A = vector.broadcast %get3A_14 : vector<1024x1xf32> to vector<1024x256xf32>
    %mul3A_15 = arith.mulf %concatenate3A, %mul3A : vector<1024x256xf32>
    %get3A_16 = arith.constant 0 : index
    %get3A_17 = arith.constant 0 : index
    %get3A_18 = vector.load %arg5[%get3A_16, %get3A_17] : memref<1x256xf32, #tpu.memory_space<vmem>>, vector<1x256xf32>
    %add3A_19 = vector.broadcast %get3A_18 : vector<1x256xf32> to vector<1024x256xf32>
    %add3A_20 = arith.addf %mul3A_15, %add3A_19 : vector<1024x256xf32>
    %max3A = arith.constant 0.000000e+00 : f32
    %max3A_21 = vector.broadcast %max3A : f32 to vector<1024x256xf32>
    %max3A_22 = arith.maximumf %add3A_20, %max3A_21 : vector<1024x256xf32>
    %get3A_23 = arith.constant 0 : index
    %get3A_24 = arith.constant 0 : index
    %get3A_25 = vector.load %arg6[%get3A_23, %get3A_24] : memref<256x16xf32, #tpu.memory_space<vmem>>, vector<256x16xf32>
    %dot_general3A = arith.constant dense<0.000000e+00> : vector<1024x16xf32>
    %dot_general3A_26 = tpu.matmul %max3A_22, %get3A_25, %dot_general3A {dimension_numbers = #tpu.dot_dimension_numbers<[1], [0], [0], [1], [0, 0, 1, 1], [], []>, transpose_lhs_hint = false} : vector<1024x256xf32>, vector<256x16xf32>, vector<1024x16xf32> -> vector<1024x16xf32>
    %mul3A_27 = vector.broadcast %get3A_14 : vector<1024x1xf32> to vector<1024x16xf32>
    %mul3A_28 = arith.mulf %dot_general3A_26, %mul3A_27 : vector<1024x16xf32>
    %swap3A = arith.constant 0 : index
    %swap3A_29 = arith.constant 0 : index
    %swap3A_30 = vector.load %arg7[%swap3A, %swap3A_29] : memref<1024x16xf32, #tpu.memory_space<vmem>>, vector<1024x16xf32>
    tpu.vector_store %arg7[%swap3A, %swap3A_29], %mul3A_28 {strides = array<i32>} : memref<1024x16xf32, #tpu.memory_space<vmem>>, vector<1024x16xf32>,
    return
  }
  func.func @transform_0(%arg0: i32) -> (i32, i32, i32) {
    %c0_i32 = arith.constant 0 : i32
    %c0_i32_0 = arith.constant 0 : i32
    %c0_i32_1 = arith.constant 0 : i32
    return %c0_i32, %arg0, %c0_i32_0 : i32, i32, i32
  }
  func.func @transform_1(%arg0: i32) -> (i32, i32) {
    %c0_i32 = arith.constant 0 : i32
    %c0_i32_0 = arith.constant 0 : i32
    return %arg0, %c0_i32 : i32, i32
  }
  func.func @transform_2(%arg0: i32) -> (i32, i32) {
    %add3A = arith.constant 10 : i32
    %add3A_0 = arith.addi %add3A, %arg0 : i32
    %c0_i32 = arith.constant 0 : i32
    %c0_i32_1 = arith.constant 0 : i32
    return %add3A_0, %c0_i32 : i32, i32
  }
  func.func @transform_3(%arg0: i32) -> (i32, i32) {
    %c0_i32 = arith.constant 0 : i32
    %c0_i32_0 = arith.constant 0 : i32
    return %arg0, %c0_i32 : i32, i32
  }
  func.func @transform_4(%arg0: i32) -> (i32, i32) {
    %c0_i32 = arith.constant 0 : i32
    %c0_i32_0 = arith.constant 0 : i32
    %c0_i32_1 = arith.constant 0 : i32
    return %c0_i32, %c0_i32_0 : i32, i32
  }
  func.func @transform_5(%arg0: i32) -> (i32, i32) {
    %c0_i32 = arith.constant 0 : i32
    %c0_i32_0 = arith.constant 0 : i32
    %c0_i32_1 = arith.constant 0 : i32
    return %c0_i32, %c0_i32_0 : i32, i32
  }
  func.func @transform_6(%arg0: i32) -> (i32, i32) {
    %c0_i32 = arith.constant 0 : i32
    %c0_i32_0 = arith.constant 0 : i32
    return %arg0, %c0_i32 : i32, i32
  }
}

module attributes {stable_mosaic.version = 14 : i64} {
  func.func @_fin_body(%arg0: i32, %arg1: memref<2x1000x16xf32, #tpu.memory_space<vmem>>, %arg2: memref<1000x16xf32, #tpu.memory_space<vmem>>, %arg3: memref<1000x1xf32, #tpu.memory_space<vmem>>, %arg4: memref<1x16xf32, #tpu.memory_space<vmem>>, %arg5: memref<1000x16xf32, #tpu.memory_space<vmem>>) attributes {dimension_semantics = [#tpu.dimension_semantics<arbitrary>], iteration_bounds = array<i64: 10>, scalar_prefetch = 0 : i64, scratch_operands = 0 : i64, tpu.core_type = #tpu.core_type<tc>, window_params = [{transform_indices = @transform_0, window_bounds = array<i64: 2, 1000, 16>}, {transform_indices = @transform_1, window_bounds = array<i64: 1000, 16>}, {transform_indices = @transform_2, window_bounds = array<i64: 1000, 1>}, {pipeline_mode = #tpu.pipeline_mode<synchronous>, transform_indices = @transform_3, window_bounds = array<i64: 1, 16>}, {transform_indices = @transform_4, window_bounds = array<i64: 1000, 16>}]} {
    %get3A = arith.constant 0 : index
    %get3A_0 = arith.constant 0 : index
    %get3A_1 = arith.constant 0 : index
    %get3A_2 = vector.load %arg1[%get3A, %get3A_0, %get3A_1] : memref<2x1000x16xf32, #tpu.memory_space<vmem>>, vector<2x1000x16xf32>
    %reduce_sum3A = arith.constant dense<0.000000e+00> : vector<1000x16xf32>
    %reduce_sum3A_3 = vector.multi_reduction <add>, %get3A_2, %reduce_sum3A [0] : vector<2x1000x16xf32> to vector<1000x16xf32>
    %get3A_4 = arith.constant 0 : index
    %get3A_5 = arith.constant 0 : index
    %get3A_6 = vector.load %arg2[%get3A_4, %get3A_5] : memref<1000x16xf32, #tpu.memory_space<vmem>>, vector<1000x16xf32>
    %add3A = arith.addf %reduce_sum3A_3, %get3A_6 : vector<1000x16xf32>
    %get3A_7 = arith.constant 0 : index
    %get3A_8 = arith.constant 0 : index
    %get3A_9 = vector.load %arg3[%get3A_7, %get3A_8] : memref<1000x1xf32, #tpu.memory_space<vmem>>, vector<1000x1xf32>
    %mul3A = vector.broadcast %get3A_9 : vector<1000x1xf32> to vector<1000x16xf32>
    %mul3A_10 = arith.mulf %add3A, %mul3A : vector<1000x16xf32>
    %get3A_11 = arith.constant 0 : index
    %get3A_12 = arith.constant 0 : index
    %get3A_13 = vector.load %arg4[%get3A_11, %get3A_12] : memref<1x16xf32, #tpu.memory_space<vmem>>, vector<1x16xf32>
    %add3A_14 = vector.broadcast %get3A_13 : vector<1x16xf32> to vector<1000x16xf32>
    %add3A_15 = arith.addf %mul3A_10, %add3A_14 : vector<1000x16xf32>
    %swap3A = arith.constant 0 : index
    %swap3A_16 = arith.constant 0 : index
    %swap3A_17 = vector.load %arg5[%swap3A, %swap3A_16] : memref<1000x16xf32, #tpu.memory_space<vmem>>, vector<1000x16xf32>
    tpu.vector_store %arg5[%swap3A, %swap3A_16], %add3A_15 {strides = array<i32>} : memref<1000x16xf32, #tpu.memory_space<vmem>>, vector<1000x16xf32>,
    return
  }
  func.func @transform_0(%arg0: i32) -> (i32, i32, i32) {
    %c0_i32 = arith.constant 0 : i32
    %c0_i32_0 = arith.constant 0 : i32
    %c0_i32_1 = arith.constant 0 : i32
    return %c0_i32, %arg0, %c0_i32_0 : i32, i32, i32
  }
  func.func @transform_1(%arg0: i32) -> (i32, i32) {
    %c0_i32 = arith.constant 0 : i32
    %c0_i32_0 = arith.constant 0 : i32
    return %arg0, %c0_i32 : i32, i32
  }
  func.func @transform_2(%arg0: i32) -> (i32, i32) {
    %c0_i32 = arith.constant 0 : i32
    %c0_i32_0 = arith.constant 0 : i32
    return %arg0, %c0_i32 : i32, i32
  }
  func.func @transform_3(%arg0: i32) -> (i32, i32) {
    %c0_i32 = arith.constant 0 : i32
    %c0_i32_0 = arith.constant 0 : i32
    %c0_i32_1 = arith.constant 0 : i32
    return %c0_i32, %c0_i32_0 : i32, i32
  }
  func.func @transform_4(%arg0: i32) -> (i32, i32) {
    %c0_i32 = arith.constant 0 : i32
    %c0_i32_0 = arith.constant 0 : i32
    return %arg0, %c0_i32 : i32, i32
  }
}

</mosaic_0001>

<sc_bundles>
// kernel: kernel.11.cloned.1.call-start
scs
__scs_entry_jumppad:
0x0: {  	(pc) =	sbr.rel $0x88, $3  }
0x1: {  	(tag) =	ssettag $0x0;
	lr =	simm.s32 $0x1  }
0x2: {  	[smem:$0x3F9B] =	sst lr;
	_ =	strace $0xD0000000  }
0x3: {  	_ = 	snop  }
0x4: {  	_ = 	snop  }
0x5: {  	_ = 	snop  }
0x6: {  	_ = 	snop  }
0x7: {  	_ = 	snop  }
__scs_overlays_trampoline_lowered:
0x8: {  	[smem:$0x3FAA] =	sst s0  }
0x9: {  	[smem:$0x3FAB] =	sst s1  }
0xa: {  	[smem:$0x3FAC] =	sst s2  }
0xb: {  	[smem:$0x3FAD] =	sst s3  }
0xc: {  	[smem:$0x3FAE] =	sst s4  }
0xd: {  	[smem:$0x3FAF] =	sst s5  }
0xe: {  	[smem:$0x3FB0] =	sst s6  }
0xf: {  	[smem:$0x3FB1] =	sst s7  }
0x10: {  	[smem:$0x3FB2] =	sst s8  }
0x11: {  	[smem:$0x3FB3] =	sst s9;
	s0 =	simm.s32 @!p0 $0x0  }
0x12: {  	s1 =	sld [smem:$0x3F99];
	s0 =	simm.s32 @p0 $0x1  }
0x13: {  	[smem:$0x3FB4] =	sst s0;
	s0 =	simm.s32 @!p1 $0x0  }
0x14: {  	s2 =	sld [smem:$0x3F98];
	s0 =	simm.s32 @p1 $0x1  }
0x15: {  	[smem:$0x3FB5] =	sst s0;
	s0 =	simm.s32 @!p2 $0x0  }
0x16: {  	s3 =	sld [smem:$0x3FDB];
	s0 =	simm.s32 @p2 $0x1  }
0x17: {  	s4 =	simm.s32 $0x1BF5;
	[smem:$0x3FB7] =	sst s0  }
0x18: {  	s0 =	sld [smem:$0x3F9A];
	_ =	swait.ge [sflag:s4], $0x0  }
0x19: {  	s7 =	sld [smem:$0x3F9B]  }
0x1a: {  	s8 =	sadd.s32 $0xFFFFE003, lr  }
0x1b: {  	s9 =	sadd.s32 $0xFFFFFEF7, lr;
	s5 =	simm.s32 $0xFFFFFFFF;
	p2 =	slt.u32 s8, $0xFFFFF086  }
0x1c: {  	p1 =	slt.u32 s9, $0xF7A;
	s5 =	simm.s32 @!p2 $0x0  }
0x1d: {  	s5 =	simm.s32 @p1 $0x1;
	p0 =	seq.s32 s7, s2  }
0x1e: {  	s7 =	smul.u32 @!p0 $0xF7A, s2;
	p2 =	seq.s32 @!p0 s5, $0x0  }
0x1f: {  	s9 =	smul.u32 $0xF7A, s1;
	s8 =	simm.s32 @!p0 $0x1BF5;
	p2 =	por !p2, p0  }
0x20: {  	[sflag:s8] =	ssyncset.s32 @!p0 $0xFFFFF086;
	s6 =	sadd.s32 @!p0 s3, s7;
	s7 =	simm.s32 @!p0 $0x108  }
0x21: {  	s3 =	sadd.s32 s3, s9;
	s6 =	sadd.s32 @!p0 $0x88, s6;
	s7 =	simm.s32 @p2 $0x1082  }
0x22: {  	[simem:s7], [sflag:s8] =	dma.local @!p0 [hbm:s6], $0xF7A  }
0x23: {  	s9 =	sor.u32 $0xD0000000, s2;
	s6 =	simm.s32 $0x108;
	_ =	swait.ge @!p0 [sflag:s8], $0x0  }
0x24: {  	s3 =	sadd.s32 $0x88, s3;
	s6 =	simm.s32 @!p1 $0x1082;
	[sflag:s4] =	ssyncset.s32 $0xFFFFF086  }
0x25: {  	[simem:s6], [sflag:s4] =	dma.local [hbm:s3], $0xF7A  }
0x26: {  	[smem:$0x3F9B] =	sst s1;
	(tag) =	ssettag s2;
	_ =	strace s9  }
0x27: {  	s1 =	sld [smem:$0x3FAB]  }
0x28: {  	s2 =	sld [smem:$0x3FAC]  }
0x29: {  	s4 =	sld [smem:$0x3FAE]  }
0x2a: {  	p0 =	seq.s32 s5, $0x0;
	s5 =	sld [smem:$0x3FAF]  }
0x2b: {  	s6 =	sld [smem:$0x3FB0]  }
0x2c: {  	s7 =	sld [smem:$0x3FB1]  }
0x2d: {  	s3 =	simm.s32 $0x108;
	s8 =	sld [smem:$0x3FB2]  }
0x2e: {  	s3 =	simm.s32 @!p0 $0x1082;
	s9 =	sld [smem:$0x3FB3]  }
0x2f: {  	lr =	sadd.s32 s0, s3;
	s0 =	sld [smem:$0x3FAA]  }
0x30: {  	s3 =	sld [smem:$0x3FAD]  }
0x31: {  	[smem:$0x3FB6] =	sst s10  }
0x32: {  	s10 =	sld [smem:$0x3FB4];
	_ =	sdelay $0x3  }
0x33: {  	p0 =	seq.s32 s10, $0x1;
	s10 =	sld [smem:$0x3FB6];
	_ =	sdelay $0x3  }
0x34: {  	[smem:$0x3FB6] =	sst s10  }
0x35: {  	s10 =	sld [smem:$0x3FB5];
	_ =	sdelay $0x3  }
0x36: {  	p1 =	seq.s32 s10, $0x1;
	s10 =	sld [smem:$0x3FB6];
	_ =	sdelay $0x3  }
0x37: {  	[smem:$0x3FB6] =	sst s10  }
0x38: {  	s10 =	sld [smem:$0x3FB7]  }
0x39: {  	_ = 	snop;
	(pc) =	sbr.ind lr, $3  }
0x3a: {  	_ = 	snop  }
0x3b: {  	_ = 	snop  }
0x3c: {  	p2 =	seq.s32 s10, $0x1;
	s10 =	sld [smem:$0x3FB6]  }
0x3d: {  	_ =	shalt  }
0x3e: {  	_ =	shalt  }
0x3f: {  	_ =	shalt  }
0x40: {  	_ =	shalt  }
0x41: {  	_ =	shalt  }
0x42: {  	_ =	shalt  }
0x43: {  	_ =	shalt  }
0x44: {  	_ =	shalt  }
0x45: {  	_ =	shalt  }
0x46: {  	_ =	shalt  }
0x47: {  	_ =	shalt  }
0x48: {  	_ =	shalt  }
0x49: {  	_ =	shalt  }
0x4a: {  	_ =	shalt  }
0x4b: {  	_ =	shalt  }
0x4c: {  	_ =	shalt  }
0x4d: {  	_ =	shalt  }
0x4e: {  	_ =	shalt  }
0x4f: {  	_ =	shalt  }
0x50: {  	_ =	shalt  }
0x51: {  	_ =	shalt  }
0x52: {  	_ =	shalt  }
0x53: {  	_ =	shalt  }
0x54: {  	_ =	shalt  }
0x55: {  	_ =	shalt  }
0x56: {  	_ =	shalt  }
0x57: {  	_ =	shalt  }
0x58: {  	_ =	shalt  }
0x59: {  	_ =	shalt  }
0x5a: {  	_ =	shalt  }
0x5b: {  	_ =	shalt  }
0x5c: {  	_ =	shalt  }
0x5d: {  	_ =	shalt  }
0x5e: {  	_ =	shalt  }
0x5f: {  	_ =	shalt  }
0x60: {  	_ =	shalt  }
0x61: {  	_ =	shalt  }
0x62: {  	_ =	shalt  }
0x63: {  	_ =	shalt  }
0x64: {  	_ =	shalt  }
0x65: {  	_ =	shalt  }
0x66: {  	_ =	shalt  }
0x67: {  	_ =	shalt  }
0x68: {  	_ =	shalt  }
0x69: {  	_ =	shalt  }
0x6a: {  	_ =	shalt  }
0x6b: {  	_ =	shalt  }
0x6c: {  	_ =	shalt  }
0x6d: {  	_ =	shalt  }
0x6e: {  	_ =	shalt  }
0x6f: {  	_ =	shalt  }
0x70: {  	_ =	shalt  }
0x71: {  	_ =	shalt  }
0x72: {  	_ =	shalt  }
0x73: {  	_ =	shalt  }
0x74: {  	_ =	shalt  }
0x75: {  	_ =	shalt  }
0x76: {  	_ =	shalt  }
0x77: {  	_ =	shalt  }
0x78: {  	_ =	shalt  }
0x79: {  	_ =	shalt  }
0x7a: {  	_ =	shalt  }
0x7b: {  	_ =	shalt  }
0x7c: {  	_ =	shalt  }
0x7d: {  	_ =	shalt  }
0x7e: {  	_ =	shalt  }
0x7f: {  	_ =	shalt  }
0x80: {  	_ =	shalt  }
0x81: {  	_ =	shalt  }
0x82: {  	_ =	shalt  }
0x83: {  	_ =	shalt  }
0x84: {  	_ =	shalt  }
0x85: {  	_ =	shalt  }
0x86: {  	_ =	shalt  }
0x87: {  	_ =	shalt  }
.Lfunc_end0:
.L_simem_size_0:
called_computation.1_lowered:
.L_overlay_start_0:
0x88: {  	s2 =	sld [smem:$0x3FD9]  }
0x89: {  	s3 =	sld [smem:$0x3FFE];
	_ =	sdelay $0x1  }
0x8a: {  	s1 =	srdreg.scid  }
0x8b: {  	s0 =	sand.u32 $0x1, s1  }
0x8c: {  	s16 =	sshll.u32 s0, $0xA;
	s2 =	sadd.s32 s3, s2  }
0x8d: {  	s2 =	sadd.s32 s2, s16  }
0x8e: {  	[smem:$0x3FC2] =	sst s2  }
0x8f: {  	_ = 	snop  }
0x90: {  	(tm) =	ssettm $0x1  }
0x91: {  	s17 =	sld [smem:$0x3FFB];
	_ =	sdelay $0x3  }
0x92: {  	_ =	strace s17  }
0x93: {  	s2 =	sld [smem:$0x3FFC];
	_ =	sdelay $0x3  }
0x94: {  	_ =	strace s2  }
0x95: {  	s2 =	sld [smem:$0x3FFD];
	_ =	sdelay $0x3  }
0x96: {  	_ =	strace s2  }
0x97: {  	_ =	strace $0x8FFFFFFF  }
0x98: {  	s18 =	sld [smem:$0x3FDB];
	_ =	sdelay $0x1  }
0x99: {  	s19 =	simm.s32 $_scs_section_size  }
0x9a: {  	s4 =	simm.s32 $_size__tile_overlayer_lowered;
	s5 =	simm.s32 $_tile_overlayer_lowered  }
0x9b: {  	s22 =	simm.s32 $0x1BFF;
	s21 =	sshll.u32 s5, $0x1;
	s2 =	sadd.s32 s19, s18  }
0x9c: {  	s6 =	simm.s32 $0x0;
	s20 =	sshll.u32 s4, $0x1;
	s4 =	sadd.s32 s21, s2  }
0x9d: {  	[timem:s6], [sflag:s22] =	dma.local [hbm:s4], s20  }
0x9e: {  	_ =	swait.ge [sflag:s22], s20  }
0x9f: {  	s3 =	ssub.s32 $0x0, s20;
	[sflag:s22] =	ssyncset.done $0x0  }
0xa0: {  	[sflag:s22] =	ssyncadd.s32 s3;
	_ =	sdelay $0x1  }
0xa1: {  	s23 =	simm.s32 $0x1B8B  }
0xa2: {  	_ =	swait.ge [sflag:s23], $0x1  }
0xa3: {  	[sflag:s23] =	ssyncset.done $0x0  }
0xa4: {  	s25 =	simm.s32 $0x1B8E;
	s24 =	sld [smem:$0x3FFE];
	[sflag:s23] =	ssyncadd.s32 $0xFFFFFFFF  }
0xa5: {  	s26 =	simm.s32 $execute0_lowered;
	[smem:$0x3FD2] =	sst s25  }
0xa6: {  	s4 =	sshll.u32 s26, $0x1;
	_ =	strace $0x80000049;
	[dreg:$0x1] =	wrdreg $0xFFFFFFFF  }
0xa7: {  	s28 =	simm.s32 $_size_execute0_lowered;
	s2 =	sadd.s32 s2, s4;
	[dreg:$0x0] =	wrdreg $0x0  }
0xa8: {  	s4 =	sshll.u32 s28, $0x1;
	[dreg:$0x2] =	wrdreg s2  }
0xa9: {  	[dreg:$0x3] =	wrdreg s4  }
0xaa: {  	[dreg:$0x4] =	wrdreg $0xC0  }
0xab: {  	_ =	task [dreg:s6], $0x5FFFF  }
0xac: {  	[dreg:$0x1] =	wrdreg $0xFFFFFFFF  }
0xad: {  	[dreg:$0x0] =	wrdreg $0x60  }
0xae: {  	[dreg:$0x2] =	wrdreg s24  }
0xaf: {  	[dreg:$0x3] =	wrdreg $0x90000  }
0xb0: {  	[dreg:$0x4] =	wrdreg $0x9  }
0xb1: {  	_ =	task.clear_ibuf [dreg:s6], $0x5FFFF;
	_ =	strace $0x90000049  }
0xb2: {  	s29 =	simm.s32 $0x9;
	_ =	strace $0x8000004B  }
0xb3: {  	_ =	swait.ge [sflag:s29], $0x1  }
0xb4: {  	[sflag:s29] =	ssyncadd.s32 $0xFFFFFFFF  }
0xb5: {  	_ =	strace $0x9000004B  }
0xb6: {  	_ =	sfence  }
0xb7: {  	s30 =	sld [smem:$0x0];
	_ =	sdelay $0x2  }
0xb8: {  	s31 =	sshll.u32 s1, $0xD;
	s1 =	sshrl.u32 s1, $0x2  }
0xb9: {  	s3 =	sand.u32 $0x4000, s31;
	s1 =	sadd.s32 s1, s30  }
0xba: {  	s0 =	sor.u32 s3, s0;
	s1 =	sshll.u32 s1, $0x11  }
0xbb: {  	s0 =	sor.u32 s1, s0  }
0xbc: {  	s0 =	sadd.s32 $0x8F2B, s0  }
0xbd: {  	[sflag:s0] =	ssyncadd.remote.s32 $0x1  }
0xbe: {  	_ =	sfence.sel $0xFFFF  }
0xbf: {  	[dreg:$0x0] =	wrdreg $0xFFFFFFFF;
	(pc) =	sbr.abs _section_cstart, $3  }
0xc0: {  	[dreg:$0x1] =	wrdreg $0xFFFFFFFF  }
0xc1: {  	_ =	task.clear_ibuf [dreg:s6], $0x2FFFF;
	_ =	strace $0x9FFFFFFF  }
0xc2: {  	(tm) =	ssettm $0x7FFFFFFF  }
0xc3: {  	_ =	shalt  }
tec
execute0_lowered:
.L_overlay_start_1:
0x0: {  	(tag) =	ssettag $0x1  }
0x1: {  	s0 =	srdreg.scid  }
0x2: {  	s1 =	rddreg [dreg:$0x0];
	s9 =	stileid.u32  }
0x3: {  	s2 =	rddreg [dreg:$0x1];
	s3 =	simm.s32 $0x0;
	s13 =	simm.s32 $0x100  }
0x4: {  	s14 =	simm.s32 $0x880;
	s16 =	simm.s32 $0x180;
	s18 =	simm.s32 $0x900  }
0x5: {  	s19 =	simm.s32 $0x200;
	s20 =	simm.s32 $0x980;
	[smem:$0x7FF] =	sst s3  }
0x6: {  	s21 =	simm.s32 $0x280;
	_ =	strace $0x8000004A;
	[dreg:$0x5] =	wrdreg s13  }
0x7: {  	s22 =	simm.s32 $0xA00;
	s23 =	simm.s32 $0x300;
	[dreg:$0x6] =	wrdreg s14  }
0x8: {  	s24 =	simm.s32 $0xA80;
	s5 =	smul.u32 $0x2800, s9;
	[dreg:$0x7] =	wrdreg s16  }
0x9: {  	s28 =	simm.s32 $0x600;
	s6 =	smul.u32 $0x500, s9;
	[dreg:$0x8] =	wrdreg s18  }
0xa: {  	s29 =	simm.s32 $0xD80;
	s8 =	smul.u32 $0x14000, s9;
	[dreg:$0x9] =	wrdreg s19  }
0xb: {  	s0 =	sand.u32 $0x1, s0;
	s9 =	smul.u32 $0x50000, s9;
	[dreg:$0xa] =	wrdreg s20  }
0xc: {  	s30 =	simm.s32 $0x680;
	s4 =	smul.u32 $0x28000, s0;
	[dreg:$0xb] =	wrdreg s21  }
0xd: {  	s31 =	simm.s32 $0xE00;
	s25 =	smul.u32 $0x140000, s0;
	[dreg:$0xc] =	wrdreg s22  }
0xe: {  	s0 =	ssub.s32 $0x2, s0;
	s13 =	simm.s32 $0x3;
	[dreg:$0xd] =	wrdreg s23  }
0xf: {  	s14 =	simm.s32 $0x800;
	[dreg:$0xe] =	wrdreg s24;
	s16 =	simm.s32 $0x1  }
0x10: {  	s18 =	simm.s32 $0x2;
	s19 =	simm.s32 $0x400;
	s20 =	simm.s32 $0xB80  }
0x11: {  	s21 =	simm.s32 $0x480;
	s22 =	simm.s32 $0xC00;
	s23 =	simm.s32 $0x500  }
0x12: {  	s24 =	simm.s32 $0xC80;
	s6 =	sadd.s32 s6, s1;
	s26 =	sshrl.u32 s0, $0x1  }
0x13: {  	s10 =	sshrl.u32 s9, $0x2;
	s9 =	simm.s32 $0x0;
	s4 =	sadd.s32 s4, s5  }
0x14: {  	s5 =	sadd.s32 s8, s25;
	s0 =	ssub.s32 s0, s26;
	s11 =	sadd.s32 $0xE00, s6  }
0x15: {  	s12 =	sadd.s32 s10, s2;
	s25 =	simm.s32 $0x380;
	[dreg:$0x4] =	wrdreg s11  }
0x16: {  	s26 =	simm.s32 $0xB00;
	s7 =	sshrl.u32 s4, $0x3;
	[dreg:$0x11] =	wrdreg s12  }
0x17: {  	s4 =	sadd.s32 $0x14E00, s1;
	s5 =	sshrl.u32 s5, $0x3;
	[dreg:$0xf] =	wrdreg s25  }
0x18: {  	s15 =	sadd.s32 $0x8000, s12;
	s17 =	sadd.s32 $0xC000, s12;
	[dreg:$0x10] =	wrdreg s26  }
0x19: {  	s6 =	sadd.s32 $0x10000, s12;
	s0 =	smax.u32 s0, $0x1;
	[dreg:$0x13] =	wrdreg s15  }
0x1a: {  	s25 =	simm.s32 $0x580;
	s26 =	simm.s32 $0xD00;
	[dreg:$0x14] =	wrdreg s17  }
0x1b: {  	s7 =	sadd.s32 s7, s1;
	s1 =	sadd.s32 s5, s1;
	[dreg:$0x15] =	wrdreg s6  }
0x1c: {  	[dreg:$0x17] =	wrdreg s0;
	s15 =	simm.s32 $0x80;
	s8 =	sadd.s32 $0x64E00, s7  }
0x1d: {  	s17 =	simm.s32 $0x5000;
	s7 =	sadd.s32 $0x4000, s12;
	[dreg:$0x3] =	wrdreg s8  }
0x1e: {  	s0 =	simm.s32 $0xE80;
	s1 =	sadd.s32 $0x6EE00, s1;
	[dreg:$0x12] =	wrdreg s7  }
0x1f: {  	s6 =	simm.s32 $0x780;
	s12 =	simm.s32 $0x1000;
	[dreg:$0x16] =	wrdreg s1  }
0x20: {  	v0 =	vimm.f32 $0.0e+00;
	s1 =	simm.s32 $0x700;
	s7 =	simm.s32 $0xF00;
	s8 =	simm.s32 $0xF80  }
.LBB2_1:
0x21: {  	s5 =	sand.u32 $0xFE00, s3  }
0x22: {  	[dreg:$0x18] =	wrdreg s9;
	s11 =	sand.u32 $0x70, s3;
	s5 =	sshrl.u32 s5, $0x2  }
0x23: {  	s10 =	simm.s32 $0x40;
	s5 =	sor.u32 s11, s5;
	s11 =	simm.s32 $0x0  }
.LBB2_2:
0x24: {  	p0 =	sne.s32 s10, $0xFFC0  }
0x25: {  	[tilespmem:s5+$0x1000] =	vst v0;
	s11 =	sadd.s32 $0x10, s11;
	s5 =	smov.u32 s10;
	s10 =	sadd.s32 $0x40, s10  }
.Ltmp0:
0x26: {  	(pc) =	sbr.rel @p0 .LBB2_2-.Ltmp0, $4  }
0x27: {  	_ = 	snop  }
0x28: {  	s5 =	sand.u32 $0xFE00, s5  }
0x29: {  	s9 =	sand.u32 $0x70, s11;
	s5 =	sshrl.u32 s5, $0x2  }
0x2a: {  	s5 =	sor.u32 s9, s5  }
0x2b: {  	[tilespmem:s5+$0x1000] =	vst v0;
	s10 =	rddreg [dreg:$0x11]  }
0x2c: {  	[spmem:s10] =	stream.linear.scatter [tilespmem:s12], [sflag:$0x3], $0x4000, $0x38;
	[tilespmem:$0x1D000] =	vst v63  }
0x2d: {  	_ =	swait.ge [sflag:s13], $0x4000  }
0x2e: {  	[sflag:s13] =	ssyncset.done $0x0  }
0x2f: {  	s11 =	rddreg [dreg:$0x12];
	[sflag:s13] =	ssyncadd.s32 $0xFFFFC000  }
0x30: {  	[spmem:s11] =	stream.linear.scatter [tilespmem:s12], [sflag:$0x3], $0x4000, $0x38;
	[tilespmem:$0x1D000] =	vst v63  }
0x31: {  	_ =	swait.ge [sflag:s13], $0x4000  }
0x32: {  	[sflag:s13] =	ssyncset.done $0x0  }
0x33: {  	s9 =	rddreg [dreg:$0x13];
	[sflag:s13] =	ssyncadd.s32 $0xFFFFC000  }
0x34: {  	[spmem:s9] =	stream.linear.scatter [tilespmem:s12], [sflag:$0x3], $0x4000, $0x38;
	[tilespmem:$0x1D000] =	vst v63  }
0x35: {  	_ =	swait.ge [sflag:s13], $0x4000  }
0x36: {  	[sflag:s13] =	ssyncset.done $0x0  }
0x37: {  	s10 =	rddreg [dreg:$0x14];
	[sflag:s13] =	ssyncadd.s32 $0xFFFFC000  }
0x38: {  	[spmem:s10] =	stream.linear.scatter [tilespmem:s12], [sflag:$0x3], $0x4000, $0x38;
	[tilespmem:$0x1D000] =	vst v63  }
0x39: {  	_ =	swait.ge [sflag:s13], $0x4000  }
0x3a: {  	[sflag:s13] =	ssyncset.done $0x0  }
0x3b: {  	s11 =	rddreg [dreg:$0x15];
	[sflag:s13] =	ssyncadd.s32 $0xFFFFC000  }
0x3c: {  	[spmem:s11] =	stream.linear.scatter [tilespmem:s12], [sflag:$0x3], $0x4000, $0x38;
	[tilespmem:$0x1D000] =	vst v63  }
0x3d: {  	_ =	swait.ge [sflag:s13], $0x4000  }
0x3e: {  	[sflag:s13] =	ssyncset.done $0x0  }
0x3f: {  	[sflag:s13] =	ssyncadd.s32 $0xFFFFC000  }
0x40: {  	[bflag:$0x0] =	sbarrier.arrive $0xFFFF  }
0x41: {  	s9 =	rddreg [dreg:$0x3]  }
0x42: {  	s5 =	sadd.s32 $0x0, s9  }
0x43: {  	[tilespmem:s3], [sflag:$0x3] =	stream.linear.gather [hbm4b:s5+s3], $0x800, $0x38;
	[tilespmem:$0x1D000] =	vst v63  }
0x44: {  	_ =	swait.ge [sflag:s13], $0x800  }
0x45: {  	s10 =	rddreg [dreg:$0x4];
	[sflag:s13] =	ssyncset.done $0x0  }
0x46: {  	[sflag:s13] =	ssyncadd.s32 $0xFFFFF800;
	s5 =	sadd.s32 $0x0, s10  }
0x47: {  	[tilespmem:s14], [sflag:$0x3] =	stream.linear.gather [hbm4b:s5+s3], $0x800, $0x38;
	[tilespmem:$0x1D000] =	vst v63  }
0x48: {  	_ =	swait.ge [sflag:s13], $0x800  }
0x49: {  	[sflag:s13] =	ssyncset.done $0x0  }
0x4a: {  	[sflag:s13] =	ssyncadd.s32 $0xFFFFF800  }
0x4b: {  	[tilespmem:s12], [sflag:$0x1] =	stream.indirect.gather [hbm4b:s4+s15], $0x80, s3, s15, $0xb8;
	[tilespmem:$0x1D000] =	vst v63  }
0x4c: {  	_ =	swait.ge [sflag:s16], $0x4000  }
0x4d: {  	[sflag:s16] =	ssyncset.done $0x0  }
0x4e: {  	[sflag:s16] =	ssyncadd.s32 $0xFFFFC000  }
0x4f: {  	[tilespmem:s17], [sflag:$0x2] =	stream.indirect.gather [hbm4b:s4+s15], $0x80, s15, s15, $0xb8;
	[tilespmem:$0x1D000] =	vst v63  }
0x50: {  	_ = 	snop  }
0x51: {  	[spmem:s2] =	stream.indirect.scatter.add.f32 [tilespmem:s12], [sflag:$0x3], $0x80, s14, s15, $0xb8;
	[tilespmem:$0x1D000] =	vst v63  }
0x52: {  	_ =	swait.ge [sflag:s13], $0x4000  }
0x53: {  	[sflag:s13] =	ssyncset.done $0x0  }
0x54: {  	[sflag:s13] =	ssyncadd.s32 $0xFFFFC000  }
0x55: {  	_ =	swait.ge [sflag:s18], $0x4000  }
0x56: {  	[sflag:s18] =	ssyncset.done $0x0  }
0x57: {  	s11 =	rddreg [dreg:$0x5];
	[sflag:s18] =	ssyncadd.s32 $0xFFFFC000  }
0x58: {  	[tilespmem:s12], [sflag:$0x1] =	stream.indirect.gather [hbm4b:s4+s15], $0x80, s11, s15, $0xb8;
	[tilespmem:$0x1D000] =	vst v63  }
0x59: {  	s9 =	rddreg [dreg:$0x6]  }
0x5a: {  	[spmem:s2] =	stream.indirect.scatter.add.f32 [tilespmem:s17], [sflag:$0x3], $0x80, s9, s15, $0xb8;
	[tilespmem:$0x1D000] =	vst v63  }
0x5b: {  	_ =	swait.ge [sflag:s13], $0x4000  }
0x5c: {  	[sflag:s13] =	ssyncset.done $0x0  }
0x5d: {  	[sflag:s13] =	ssyncadd.s32 $0xFFFFC000  }
0x5e: {  	_ =	swait.ge [sflag:s16], $0x4000  }
0x5f: {  	[sflag:s16] =	ssyncset.done $0x0  }
0x60: {  	s10 =	rddreg [dreg:$0x7];
	[sflag:s16] =	ssyncadd.s32 $0xFFFFC000  }
0x61: {  	[tilespmem:s17], [sflag:$0x2] =	stream.indirect.gather [hbm4b:s4+s15], $0x80, s10, s15, $0xb8;
	[tilespmem:$0x1D000] =	vst v63  }
0x62: {  	s11 =	rddreg [dreg:$0x8]  }
0x63: {  	[spmem:s2] =	stream.indirect.scatter.add.f32 [tilespmem:s12], [sflag:$0x3], $0x80, s11, s15, $0xb8;
	[tilespmem:$0x1D000] =	vst v63  }
0x64: {  	_ =	swait.ge [sflag:s13], $0x4000  }
0x65: {  	[sflag:s13] =	ssyncset.done $0x0  }
0x66: {  	[sflag:s13] =	ssyncadd.s32 $0xFFFFC000  }
0x67: {  	_ =	swait.ge [sflag:s18], $0x4000  }
0x68: {  	[sflag:s18] =	ssyncset.done $0x0  }
0x69: {  	s10 =	rddreg [dreg:$0x9];
	[sflag:s18] =	ssyncadd.s32 $0xFFFFC000  }
0x6a: {  	[tilespmem:s12], [sflag:$0x1] =	stream.indirect.gather [hbm4b:s4+s15], $0x80, s10, s15, $0xb8;
	[tilespmem:$0x1D000] =	vst v63  }
0x6b: {  	s11 =	rddreg [dreg:$0xa]  }
0x6c: {  	[spmem:s2] =	stream.indirect.scatter.add.f32 [tilespmem:s17], [sflag:$0x3], $0x80, s11, s15, $0xb8;
	[tilespmem:$0x1D000] =	vst v63  }
0x6d: {  	_ =	swait.ge [sflag:s13], $0x4000  }
0x6e: {  	[sflag:s13] =	ssyncset.done $0x0  }
0x6f: {  	[sflag:s13] =	ssyncadd.s32 $0xFFFFC000  }
0x70: {  	_ =	swait.ge [sflag:s16], $0x4000  }
0x71: {  	[sflag:s16] =	ssyncset.done $0x0  }
0x72: {  	s10 =	rddreg [dreg:$0xb];
	[sflag:s16] =	ssyncadd.s32 $0xFFFFC000  }
0x73: {  	[tilespmem:s17], [sflag:$0x2] =	stream.indirect.gather [hbm4b:s4+s15], $0x80, s10, s15, $0xb8;
	[tilespmem:$0x1D000] =	vst v63  }
0x74: {  	s11 =	rddreg [dreg:$0xc]  }
0x75: {  	[spmem:s2] =	stream.indirect.scatter.add.f32 [tilespmem:s12], [sflag:$0x3], $0x80, s11, s15, $0xb8;
	[tilespmem:$0x1D000] =	vst v63  }
0x76: {  	_ =	swait.ge [sflag:s13], $0x4000  }
0x77: {  	[sflag:s13] =	ssyncset.done $0x0  }
0x78: {  	[sflag:s13] =	ssyncadd.s32 $0xFFFFC000  }
0x79: {  	_ =	swait.ge [sflag:s18], $0x4000  }
0x7a: {  	[sflag:s18] =	ssyncset.done $0x0  }
0x7b: {  	s10 =	rddreg [dreg:$0xd];
	[sflag:s18] =	ssyncadd.s32 $0xFFFFC000  }
0x7c: {  	[tilespmem:s12], [sflag:$0x1] =	stream.indirect.gather [hbm4b:s4+s15], $0x80, s10, s15, $0xb8;
	[tilespmem:$0x1D000] =	vst v63  }
0x7d: {  	s11 =	rddreg [dreg:$0xe]  }
0x7e: {  	[spmem:s2] =	stream.indirect.scatter.add.f32 [tilespmem:s17], [sflag:$0x3], $0x80, s11, s15, $0xb8;
	[tilespmem:$0x1D000] =	vst v63  }
0x7f: {  	_ =	swait.ge [sflag:s13], $0x4000  }
0x80: {  	[sflag:s13] =	ssyncset.done $0x0  }
0x81: {  	[sflag:s13] =	ssyncadd.s32 $0xFFFFC000  }
0x82: {  	_ =	swait.ge [sflag:s16], $0x4000  }
0x83: {  	[sflag:s16] =	ssyncset.done $0x0  }
0x84: {  	s10 =	rddreg [dreg:$0xf];
	[sflag:s16] =	ssyncadd.s32 $0xFFFFC000  }
0x85: {  	[tilespmem:s17], [sflag:$0x2] =	stream.indirect.gather [hbm4b:s4+s15], $0x80, s10, s15, $0xb8;
	[tilespmem:$0x1D000] =	vst v63  }
0x86: {  	s11 =	rddreg [dreg:$0x10]  }
0x87: {  	[spmem:s2] =	stream.indirect.scatter.add.f32 [tilespmem:s12], [sflag:$0x3], $0x80, s11, s15, $0xb8;
	[tilespmem:$0x1D000] =	vst v63  }
0x88: {  	_ =	swait.ge [sflag:s13], $0x4000  }
0x89: {  	[sflag:s13] =	ssyncset.done $0x0  }
0x8a: {  	[sflag:s13] =	ssyncadd.s32 $0xFFFFC000  }
0x8b: {  	_ =	swait.ge [sflag:s18], $0x4000  }
0x8c: {  	[sflag:s18] =	ssyncset.done $0x0  }
0x8d: {  	[sflag:s18] =	ssyncadd.s32 $0xFFFFC000  }
0x8e: {  	[tilespmem:s12], [sflag:$0x1] =	stream.indirect.gather [hbm4b:s4+s15], $0x80, s19, s15, $0xb8;
	[tilespmem:$0x1D000] =	vst v63  }
0x8f: {  	_ = 	snop  }
0x90: {  	[spmem:s2] =	stream.indirect.scatter.add.f32 [tilespmem:s17], [sflag:$0x3], $0x80, s20, s15, $0xb8;
	[tilespmem:$0x1D000] =	vst v63  }
0x91: {  	_ =	swait.ge [sflag:s13], $0x4000  }
0x92: {  	[sflag:s13] =	ssyncset.done $0x0  }
0x93: {  	[sflag:s13] =	ssyncadd.s32 $0xFFFFC000  }
0x94: {  	_ =	swait.ge [sflag:s16], $0x4000  }
0x95: {  	[sflag:s16] =	ssyncset.done $0x0  }
0x96: {  	[sflag:s16] =	ssyncadd.s32 $0xFFFFC000  }
0x97: {  	[tilespmem:s17], [sflag:$0x2] =	stream.indirect.gather [hbm4b:s4+s15], $0x80, s21, s15, $0xb8;
	[tilespmem:$0x1D000] =	vst v63  }
0x98: {  	_ = 	snop  }
0x99: {  	[spmem:s2] =	stream.indirect.scatter.add.f32 [tilespmem:s12], [sflag:$0x3], $0x80, s22, s15, $0xb8;
	[tilespmem:$0x1D000] =	vst v63  }
0x9a: {  	_ =	swait.ge [sflag:s13], $0x4000  }
0x9b: {  	[sflag:s13] =	ssyncset.done $0x0  }
0x9c: {  	[sflag:s13] =	ssyncadd.s32 $0xFFFFC000  }
0x9d: {  	_ =	swait.ge [sflag:s18], $0x4000  }
0x9e: {  	[sflag:s18] =	ssyncset.done $0x0  }
0x9f: {  	[sflag:s18] =	ssyncadd.s32 $0xFFFFC000  }
0xa0: {  	[tilespmem:s12], [sflag:$0x1] =	stream.indirect.gather [hbm4b:s4+s15], $0x80, s23, s15, $0xb8;
	[tilespmem:$0x1D000] =	vst v63  }
0xa1: {  	_ = 	snop  }
0xa2: {  	[spmem:s2] =	stream.indirect.scatter.add.f32 [tilespmem:s17], [sflag:$0x3], $0x80, s24, s15, $0xb8;
	[tilespmem:$0x1D000] =	vst v63  }
0xa3: {  	_ =	swait.ge [sflag:s13], $0x4000  }
0xa4: {  	[sflag:s13] =	ssyncset.done $0x0  }
0xa5: {  	[sflag:s13] =	ssyncadd.s32 $0xFFFFC000  }
0xa6: {  	_ =	swait.ge [sflag:s16], $0x4000  }
0xa7: {  	[sflag:s16] =	ssyncset.done $0x0  }
0xa8: {  	[sflag:s16] =	ssyncadd.s32 $0xFFFFC000  }
0xa9: {  	[tilespmem:s17], [sflag:$0x2] =	stream.indirect.gather [hbm4b:s4+s15], $0x80, s25, s15, $0xb8;
	[tilespmem:$0x1D000] =	vst v63  }
0xaa: {  	_ = 	snop  }
0xab: {  	[spmem:s2] =	stream.indirect.scatter.add.f32 [tilespmem:s12], [sflag:$0x3], $0x80, s26, s15, $0xb8;
	[tilespmem:$0x1D000] =	vst v63  }
0xac: {  	_ =	swait.ge [sflag:s13], $0x4000  }
0xad: {  	[sflag:s13] =	ssyncset.done $0x0  }
0xae: {  	[sflag:s13] =	ssyncadd.s32 $0xFFFFC000  }
0xaf: {  	_ =	swait.ge [sflag:s18], $0x4000  }
0xb0: {  	[sflag:s18] =	ssyncset.done $0x0  }
0xb1: {  	[sflag:s18] =	ssyncadd.s32 $0xFFFFC000  }
0xb2: {  	[tilespmem:s12], [sflag:$0x1] =	stream.indirect.gather [hbm4b:s4+s15], $0x80, s28, s15, $0xb8;
	[tilespmem:$0x1D000] =	vst v63  }
0xb3: {  	_ = 	snop  }
0xb4: {  	[spmem:s2] =	stream.indirect.scatter.add.f32 [tilespmem:s17], [sflag:$0x3], $0x80, s29, s15, $0xb8;
	[tilespmem:$0x1D000] =	vst v63  }
0xb5: {  	_ =	swait.ge [sflag:s13], $0x4000  }
0xb6: {  	[sflag:s13] =	ssyncset.done $0x0  }
0xb7: {  	[sflag:s13] =	ssyncadd.s32 $0xFFFFC000  }
0xb8: {  	_ =	swait.ge [sflag:s16], $0x4000  }
0xb9: {  	[sflag:s16] =	ssyncset.done $0x0  }
0xba: {  	[sflag:s16] =	ssyncadd.s32 $0xFFFFC000  }
0xbb: {  	[tilespmem:s17], [sflag:$0x2] =	stream.indirect.gather [hbm4b:s4+s15], $0x80, s30, s15, $0xb8;
	[tilespmem:$0x1D000] =	vst v63  }
0xbc: {  	_ = 	snop  }
0xbd: {  	[spmem:s2] =	stream.indirect.scatter.add.f32 [tilespmem:s12], [sflag:$0x3], $0x80, s31, s15, $0xb8;
	[tilespmem:$0x1D000] =	vst v63  }
0xbe: {  	_ =	swait.ge [sflag:s13], $0x4000  }
0xbf: {  	[sflag:s13] =	ssyncset.done $0x0  }
0xc0: {  	[sflag:s13] =	ssyncadd.s32 $0xFFFFC000  }
0xc1: {  	_ =	swait.ge [sflag:s18], $0x4000  }
0xc2: {  	[sflag:s18] =	ssyncset.done $0x0  }
0xc3: {  	[sflag:s18] =	ssyncadd.s32 $0xFFFFC000  }
0xc4: {  	[tilespmem:s12], [sflag:$0x1] =	stream.indirect.gather [hbm4b:s4+s15], $0x80, s1, s15, $0xb8;
	[tilespmem:$0x1D000] =	vst v63  }
0xc5: {  	_ = 	snop  }
0xc6: {  	[spmem:s2] =	stream.indirect.scatter.add.f32 [tilespmem:s17], [sflag:$0x3], $0x80, s0, s15, $0xb8;
	[tilespmem:$0x1D000] =	vst v63  }
0xc7: {  	_ =	swait.ge [sflag:s13], $0x4000  }
0xc8: {  	[sflag:s13] =	ssyncset.done $0x0  }
0xc9: {  	[sflag:s13] =	ssyncadd.s32 $0xFFFFC000  }
0xca: {  	_ =	swait.ge [sflag:s16], $0x4000  }
0xcb: {  	[sflag:s16] =	ssyncset.done $0x0  }
0xcc: {  	[sflag:s16] =	ssyncadd.s32 $0xFFFFC000  }
0xcd: {  	[tilespmem:s17], [sflag:$0x2] =	stream.indirect.gather [hbm4b:s4+s15], $0x80, s6, s15, $0xb8;
	[tilespmem:$0x1D000] =	vst v63  }
0xce: {  	_ = 	snop  }
0xcf: {  	[spmem:s2] =	stream.indirect.scatter.add.f32 [tilespmem:s12], [sflag:$0x3], $0x80, s7, s15, $0xb8;
	[tilespmem:$0x1D000] =	vst v63  }
0xd0: {  	_ =	swait.ge [sflag:s13], $0x4000  }
0xd1: {  	[sflag:s13] =	ssyncset.done $0x0  }
0xd2: {  	[sflag:s13] =	ssyncadd.s32 $0xFFFFC000  }
0xd3: {  	_ =	swait.ge [sflag:s18], $0x4000  }
0xd4: {  	[sflag:s18] =	ssyncset.done $0x0  }
0xd5: {  	[sflag:s18] =	ssyncadd.s32 $0xFFFFC000  }
0xd6: {  	[spmem:s2] =	stream.indirect.scatter.add.f32 [tilespmem:s17], [sflag:$0x3], $0x80, s8, s15, $0xb8;
	[tilespmem:$0x1D000] =	vst v63  }
0xd7: {  	s10 =	simm.s32 $0x100;
	_ =	swait.ge [sflag:s13], $0x4000  }
0xd8: {  	s11 =	simm.s32 $0x200;
	s5 =	rddreg [dreg:$0x3];
	[sflag:s13] =	ssyncset.done $0x0  }
.LBB2_4:
0xd9: {  	[sflag:s13] =	ssyncadd.s32 $0xFFFFC000;
	s5 =	sadd.s32 s10, s5  }
0xda: {  	[tilespmem:s3], [sflag:$0x3] =	stream.linear.gather [hbm4b:s5+s3], $0x800, $0x38;
	[tilespmem:$0x1D000] =	vst v63  }
0xdb: {  	_ =	swait.ge [sflag:s13], $0x800  }
0xdc: {  	s5 =	rddreg [dreg:$0x4];
	[sflag:s13] =	ssyncset.done $0x0  }
0xdd: {  	[sflag:s13] =	ssyncadd.s32 $0xFFFFF800;
	s5 =	sadd.s32 s10, s5  }
0xde: {  	[tilespmem:s14], [sflag:$0x3] =	stream.linear.gather [hbm4b:s5+s3], $0x800, $0x38;
	[tilespmem:$0x1D000] =	vst v63  }
0xdf: {  	_ =	swait.ge [sflag:s13], $0x800  }
0xe0: {  	[sflag:s13] =	ssyncset.done $0x0  }
0xe1: {  	[sflag:s13] =	ssyncadd.s32 $0xFFFFF800  }
0xe2: {  	[tilespmem:s12], [sflag:$0x1] =	stream.indirect.gather [hbm4b:s4+s15], $0x80, s3, s15, $0xb8;
	[tilespmem:$0x1D000] =	vst v63  }
0xe3: {  	_ =	swait.ge [sflag:s16], $0x4000  }
0xe4: {  	[sflag:s16] =	ssyncset.done $0x0  }
0xe5: {  	[sflag:s16] =	ssyncadd.s32 $0xFFFFC000  }
0xe6: {  	[tilespmem:s17], [sflag:$0x2] =	stream.indirect.gather [hbm4b:s4+s15], $0x80, s15, s15, $0xb8;
	[tilespmem:$0x1D000] =	vst v63  }
0xe7: {  	_ = 	snop  }
0xe8: {  	[spmem:s2] =	stream.indirect.scatter.add.f32 [tilespmem:s12], [sflag:$0x3], $0x80, s14, s15, $0xb8;
	[tilespmem:$0x1D000] =	vst v63  }
0xe9: {  	_ =	swait.ge [sflag:s13], $0x4000  }
0xea: {  	[sflag:s13] =	ssyncset.done $0x0  }
0xeb: {  	[sflag:s13] =	ssyncadd.s32 $0xFFFFC000  }
0xec: {  	_ =	swait.ge [sflag:s18], $0x4000  }
0xed: {  	[sflag:s18] =	ssyncset.done $0x0  }
0xee: {  	s9 =	smov.u32 s11;
	s5 =	rddreg [dreg:$0x5];
	[sflag:s18] =	ssyncadd.s32 $0xFFFFC000  }
0xef: {  	[tilespmem:s12], [sflag:$0x1] =	stream.indirect.gather [hbm4b:s4+s15], $0x80, s5, s15, $0xb8;
	[tilespmem:$0x1D000] =	vst v63  }
0xf0: {  	s10 =	smov.u32 s9;
	s9 =	rddreg [dreg:$0x6]  }
0xf1: {  	[spmem:s2] =	stream.indirect.scatter.add.f32 [tilespmem:s17], [sflag:$0x3], $0x80, s9, s15, $0xb8;
	[tilespmem:$0x1D000] =	vst v63  }
0xf2: {  	_ =	swait.ge [sflag:s13], $0x4000  }
0xf3: {  	[sflag:s13] =	ssyncset.done $0x0  }
0xf4: {  	[sflag:s13] =	ssyncadd.s32 $0xFFFFC000  }
0xf5: {  	_ =	swait.ge [sflag:s16], $0x4000  }
0xf6: {  	[sflag:s16] =	ssyncset.done $0x0  }
0xf7: {  	s5 =	rddreg [dreg:$0x7];
	[sflag:s16] =	ssyncadd.s32 $0xFFFFC000  }
0xf8: {  	[tilespmem:s17], [sflag:$0x2] =	stream.indirect.gather [hbm4b:s4+s15], $0x80, s5, s15, $0xb8;
	[tilespmem:$0x1D000] =	vst v63  }
0xf9: {  	s9 =	rddreg [dreg:$0x8]  }
0xfa: {  	[spmem:s2] =	stream.indirect.scatter.add.f32 [tilespmem:s12], [sflag:$0x3], $0x80, s9, s15, $0xb8;
	[tilespmem:$0x1D000] =	vst v63  }
0xfb: {  	_ =	swait.ge [sflag:s13], $0x4000  }
0xfc: {  	[sflag:s13] =	ssyncset.done $0x0  }
0xfd: {  	[sflag:s13] =	ssyncadd.s32 $0xFFFFC000  }
0xfe: {  	_ =	swait.ge [sflag:s18], $0x4000  }
0xff: {  	[sflag:s18] =	ssyncset.done $0x0  }
0x100: {  	s5 =	rddreg [dreg:$0x9];
	[sflag:s18] =	ssyncadd.s32 $0xFFFFC000  }
0x101: {  	[tilespmem:s12], [sflag:$0x1] =	stream.indirect.gather [hbm4b:s4+s15], $0x80, s5, s15, $0xb8;
	[tilespmem:$0x1D000] =	vst v63  }
0x102: {  	s9 =	rddreg [dreg:$0xa]  }
0x103: {  	[spmem:s2] =	stream.indirect.scatter.add.f32 [tilespmem:s17], [sflag:$0x3], $0x80, s9, s15, $0xb8;
	[tilespmem:$0x1D000] =	vst v63  }
0x104: {  	_ =	swait.ge [sflag:s13], $0x4000  }
0x105: {  	[sflag:s13] =	ssyncset.done $0x0  }
0x106: {  	[sflag:s13] =	ssyncadd.s32 $0xFFFFC000  }
0x107: {  	_ =	swait.ge [sflag:s16], $0x4000  }
0x108: {  	[sflag:s16] =	ssyncset.done $0x0  }
0x109: {  	s5 =	rddreg [dreg:$0xb];
	[sflag:s16] =	ssyncadd.s32 $0xFFFFC000  }
0x10a: {  	[tilespmem:s17], [sflag:$0x2] =	stream.indirect.gather [hbm4b:s4+s15], $0x80, s5, s15, $0xb8;
	[tilespmem:$0x1D000] =	vst v63  }
0x10b: {  	s9 =	rddreg [dreg:$0xc]  }
0x10c: {  	[spmem:s2] =	stream.indirect.scatter.add.f32 [tilespmem:s12], [sflag:$0x3], $0x80, s9, s15, $0xb8;
	[tilespmem:$0x1D000] =	vst v63  }
0x10d: {  	_ =	swait.ge [sflag:s13], $0x4000  }
0x10e: {  	[sflag:s13] =	ssyncset.done $0x0  }
0x10f: {  	[sflag:s13] =	ssyncadd.s32 $0xFFFFC000  }
0x110: {  	_ =	swait.ge [sflag:s18], $0x4000  }
0x111: {  	[sflag:s18] =	ssyncset.done $0x0  }
0x112: {  	s5 =	rddreg [dreg:$0xd];
	[sflag:s18] =	ssyncadd.s32 $0xFFFFC000  }
0x113: {  	[tilespmem:s12], [sflag:$0x1] =	stream.indirect.gather [hbm4b:s4+s15], $0x80, s5, s15, $0xb8;
	[tilespmem:$0x1D000] =	vst v63  }
0x114: {  	s9 =	rddreg [dreg:$0xe]  }
0x115: {  	[spmem:s2] =	stream.indirect.scatter.add.f32 [tilespmem:s17], [sflag:$0x3], $0x80, s9, s15, $0xb8;
	[tilespmem:$0x1D000] =	vst v63  }
0x116: {  	_ =	swait.ge [sflag:s13], $0x4000  }
0x117: {  	[sflag:s13] =	ssyncset.done $0x0  }
0x118: {  	[sflag:s13] =	ssyncadd.s32 $0xFFFFC000  }
0x119: {  	_ =	swait.ge [sflag:s16], $0x4000  }
0x11a: {  	[sflag:s16] =	ssyncset.done $0x0  }
0x11b: {  	s5 =	rddreg [dreg:$0xf];
	[sflag:s16] =	ssyncadd.s32 $0xFFFFC000  }
0x11c: {  	[tilespmem:s17], [sflag:$0x2] =	stream.indirect.gather [hbm4b:s4+s15], $0x80, s5, s15, $0xb8;
	[tilespmem:$0x1D000] =	vst v63  }
0x11d: {  	s9 =	rddreg [dreg:$0x10]  }
0x11e: {  	[spmem:s2] =	stream.indirect.scatter.add.f32 [tilespmem:s12], [sflag:$0x3], $0x80, s9, s15, $0xb8;
	[tilespmem:$0x1D000] =	vst v63  }
0x11f: {  	_ =	swait.ge [sflag:s13], $0x4000  }
0x120: {  	[sflag:s13] =	ssyncset.done $0x0  }
0x121: {  	[sflag:s13] =	ssyncadd.s32 $0xFFFFC000  }
0x122: {  	_ =	swait.ge [sflag:s18], $0x4000  }
0x123: {  	[sflag:s18] =	ssyncset.done $0x0  }
0x124: {  	[sflag:s18] =	ssyncadd.s32 $0xFFFFC000  }
0x125: {  	[tilespmem:s12], [sflag:$0x1] =	stream.indirect.gather [hbm4b:s4+s15], $0x80, s19, s15, $0xb8;
	[tilespmem:$0x1D000] =	vst v63  }
0x126: {  	_ = 	snop  }
0x127: {  	[spmem:s2] =	stream.indirect.scatter.add.f32 [tilespmem:s17], [sflag:$0x3], $0x80, s20, s15, $0xb8;
	[tilespmem:$0x1D000] =	vst v63  }
0x128: {  	_ =	swait.ge [sflag:s13], $0x4000  }
0x129: {  	[sflag:s13] =	ssyncset.done $0x0  }
0x12a: {  	[sflag:s13] =	ssyncadd.s32 $0xFFFFC000  }
0x12b: {  	_ =	swait.ge [sflag:s16], $0x4000  }
0x12c: {  	[sflag:s16] =	ssyncset.done $0x0  }
0x12d: {  	[sflag:s16] =	ssyncadd.s32 $0xFFFFC000  }
0x12e: {  	[tilespmem:s17], [sflag:$0x2] =	stream.indirect.gather [hbm4b:s4+s15], $0x80, s21, s15, $0xb8;
	[tilespmem:$0x1D000] =	vst v63  }
0x12f: {  	_ = 	snop  }
0x130: {  	[spmem:s2] =	stream.indirect.scatter.add.f32 [tilespmem:s12], [sflag:$0x3], $0x80, s22, s15, $0xb8;
	[tilespmem:$0x1D000] =	vst v63  }
0x131: {  	_ =	swait.ge [sflag:s13], $0x4000  }
0x132: {  	[sflag:s13] =	ssyncset.done $0x0  }
0x133: {  	[sflag:s13] =	ssyncadd.s32 $0xFFFFC000  }
0x134: {  	_ =	swait.ge [sflag:s18], $0x4000  }
0x135: {  	[sflag:s18] =	ssyncset.done $0x0  }
0x136: {  	[sflag:s18] =	ssyncadd.s32 $0xFFFFC000  }
0x137: {  	[tilespmem:s12], [sflag:$0x1] =	stream.indirect.gather [hbm4b:s4+s15], $0x80, s23, s15, $0xb8;
	[tilespmem:$0x1D000] =	vst v63  }
0x138: {  	_ = 	snop  }
0x139: {  	[spmem:s2] =	stream.indirect.scatter.add.f32 [tilespmem:s17], [sflag:$0x3], $0x80, s24, s15, $0xb8;
	[tilespmem:$0x1D000] =	vst v63  }
0x13a: {  	_ =	swait.ge [sflag:s13], $0x4000  }
0x13b: {  	[sflag:s13] =	ssyncset.done $0x0  }
0x13c: {  	[sflag:s13] =	ssyncadd.s32 $0xFFFFC000  }
0x13d: {  	_ =	swait.ge [sflag:s16], $0x4000  }
0x13e: {  	[sflag:s16] =	ssyncset.done $0x0  }
0x13f: {  	[sflag:s16] =	ssyncadd.s32 $0xFFFFC000  }
0x140: {  	[tilespmem:s17], [sflag:$0x2] =	stream.indirect.gather [hbm4b:s4+s15], $0x80, s25, s15, $0xb8;
	[tilespmem:$0x1D000] =	vst v63  }
0x141: {  	_ = 	snop  }
0x142: {  	[spmem:s2] =	stream.indirect.scatter.add.f32 [tilespmem:s12], [sflag:$0x3], $0x80, s26, s15, $0xb8;
	[tilespmem:$0x1D000] =	vst v63  }
0x143: {  	_ =	swait.ge [sflag:s13], $0x4000  }
0x144: {  	[sflag:s13] =	ssyncset.done $0x0  }
0x145: {  	[sflag:s13] =	ssyncadd.s32 $0xFFFFC000  }
0x146: {  	_ =	swait.ge [sflag:s18], $0x4000  }
0x147: {  	[sflag:s18] =	ssyncset.done $0x0  }
0x148: {  	[sflag:s18] =	ssyncadd.s32 $0xFFFFC000  }
0x149: {  	[tilespmem:s12], [sflag:$0x1] =	stream.indirect.gather [hbm4b:s4+s15], $0x80, s28, s15, $0xb8;
	[tilespmem:$0x1D000] =	vst v63  }
0x14a: {  	_ = 	snop  }
0x14b: {  	[spmem:s2] =	stream.indirect.scatter.add.f32 [tilespmem:s17], [sflag:$0x3], $0x80, s29, s15, $0xb8;
	[tilespmem:$0x1D000] =	vst v63  }
0x14c: {  	_ =	swait.ge [sflag:s13], $0x4000  }
0x14d: {  	[sflag:s13] =	ssyncset.done $0x0  }
0x14e: {  	[sflag:s13] =	ssyncadd.s32 $0xFFFFC000  }
0x14f: {  	_ =	swait.ge [sflag:s16], $0x4000  }
0x150: {  	[sflag:s16] =	ssyncset.done $0x0  }
0x151: {  	[sflag:s16] =	ssyncadd.s32 $0xFFFFC000  }
0x152: {  	[tilespmem:s17], [sflag:$0x2] =	stream.indirect.gather [hbm4b:s4+s15], $0x80, s30, s15, $0xb8;
	[tilespmem:$0x1D000] =	vst v63  }
0x153: {  	_ = 	snop  }
0x154: {  	[spmem:s2] =	stream.indirect.scatter.add.f32 [tilespmem:s12], [sflag:$0x3], $0x80, s31, s15, $0xb8;
	[tilespmem:$0x1D000] =	vst v63  }
0x155: {  	_ =	swait.ge [sflag:s13], $0x4000  }
0x156: {  	[sflag:s13] =	ssyncset.done $0x0  }
0x157: {  	[sflag:s13] =	ssyncadd.s32 $0xFFFFC000  }
0x158: {  	_ =	swait.ge [sflag:s18], $0x4000  }
0x159: {  	[sflag:s18] =	ssyncset.done $0x0  }
0x15a: {  	[sflag:s18] =	ssyncadd.s32 $0xFFFFC000  }
0x15b: {  	[tilespmem:s12], [sflag:$0x1] =	stream.indirect.gather [hbm4b:s4+s15], $0x80, s1, s15, $0xb8;
	[tilespmem:$0x1D000] =	vst v63  }
0x15c: {  	_ = 	snop  }
0x15d: {  	[spmem:s2] =	stream.indirect.scatter.add.f32 [tilespmem:s17], [sflag:$0x3], $0x80, s0, s15, $0xb8;
	[tilespmem:$0x1D000] =	vst v63  }
0x15e: {  	_ =	swait.ge [sflag:s13], $0x4000  }
0x15f: {  	[sflag:s13] =	ssyncset.done $0x0  }
0x160: {  	[sflag:s13] =	ssyncadd.s32 $0xFFFFC000  }
0x161: {  	_ =	swait.ge [sflag:s16], $0x4000  }
0x162: {  	[sflag:s16] =	ssyncset.done $0x0  }
0x163: {  	[sflag:s16] =	ssyncadd.s32 $0xFFFFC000  }
0x164: {  	[tilespmem:s17], [sflag:$0x2] =	stream.indirect.gather [hbm4b:s4+s15], $0x80, s6, s15, $0xb8;
	[tilespmem:$0x1D000] =	vst v63  }
0x165: {  	_ = 	snop  }
0x166: {  	[spmem:s2] =	stream.indirect.scatter.add.f32 [tilespmem:s12], [sflag:$0x3], $0x80, s7, s15, $0xb8;
	[tilespmem:$0x1D000] =	vst v63  }
0x167: {  	_ =	swait.ge [sflag:s13], $0x4000  }
0x168: {  	[sflag:s13] =	ssyncset.done $0x0  }
0x169: {  	[sflag:s13] =	ssyncadd.s32 $0xFFFFC000  }
0x16a: {  	p0 =	sne.s32 s11, $0x400;
	_ =	swait.ge [sflag:s18], $0x4000  }
.Ltmp1:
0x16b: {  	[sflag:s18] =	ssyncset.done $0x0;
	(pc) =	sbr.rel @p0 .LBB2_4-.Ltmp1, $4  }
0x16c: {  	[sflag:s18] =	ssyncadd.s32 $0xFFFFC000  }
0x16d: {  	[spmem:s2] =	stream.indirect.scatter.add.f32 [tilespmem:s17], [sflag:$0x3], $0x80, s8, s15, $0xb8;
	[tilespmem:$0x1D000] =	vst v63  }
0x16e: {  	_ =	swait.ge [sflag:s13], $0x4000  }
0x16f: {  	s11 =	sadd.s32 $0x100, s11;
	s5 =	rddreg [dreg:$0x3];
	[sflag:s13] =	ssyncset.done $0x0  }
0x170: {  	[sflag:s13] =	ssyncadd.s32 $0xFFFFC000;
	s5 =	sadd.s32 s10, s5  }
0x171: {  	[tilespmem:s3], [sflag:$0x3] =	stream.linear.gather [hbm4b:s5+s3], $0x800, $0x38;
	[tilespmem:$0x1D000] =	vst v63  }
0x172: {  	_ =	swait.ge [sflag:s13], $0x800  }
0x173: {  	s9 =	rddreg [dreg:$0x4];
	[sflag:s13] =	ssyncset.done $0x0  }
0x174: {  	[sflag:s13] =	ssyncadd.s32 $0xFFFFF800;
	s5 =	sadd.s32 s10, s9  }
0x175: {  	[tilespmem:s14], [sflag:$0x3] =	stream.linear.gather [hbm4b:s5+s3], $0x800, $0x38;
	[tilespmem:$0x1D000] =	vst v63  }
0x176: {  	_ =	swait.ge [sflag:s13], $0x800  }
0x177: {  	[sflag:s13] =	ssyncset.done $0x0  }
0x178: {  	[sflag:s13] =	ssyncadd.s32 $0xFFFFF800  }
0x179: {  	[tilespmem:s12], [sflag:$0x1] =	stream.indirect.gather [hbm4b:s4+s15], $0x80, s3, s15, $0xb8;
	[tilespmem:$0x1D000] =	vst v63  }
0x17a: {  	_ =	swait.ge [sflag:s16], $0x4000  }
0x17b: {  	[sflag:s16] =	ssyncset.done $0x0  }
0x17c: {  	[sflag:s16] =	ssyncadd.s32 $0xFFFFC000  }
0x17d: {  	[tilespmem:s17], [sflag:$0x2] =	stream.indirect.gather [hbm4b:s4+s15], $0x80, s15, s15, $0xb8;
	[tilespmem:$0x1D000] =	vst v63  }
0x17e: {  	_ = 	snop  }
0x17f: {  	[spmem:s2] =	stream.indirect.scatter.add.f32 [tilespmem:s12], [sflag:$0x3], $0x80, s14, s15, $0xb8;
	[tilespmem:$0x1D000] =	vst v63  }
0x180: {  	_ =	swait.ge [sflag:s13], $0x4000  }
0x181: {  	[sflag:s13] =	ssyncset.done $0x0  }
0x182: {  	[sflag:s13] =	ssyncadd.s32 $0xFFFFC000  }
0x183: {  	_ =	swait.ge [sflag:s18], $0x4000  }
0x184: {  	[sflag:s18] =	ssyncset.done $0x0  }
0x185: {  	s11 =	rddreg [dreg:$0x5];
	[sflag:s18] =	ssyncadd.s32 $0xFFFFC000  }
0x186: {  	[tilespmem:s12], [sflag:$0x1] =	stream.indirect.gather [hbm4b:s4+s15], $0x80, s11, s15, $0xb8;
	[tilespmem:$0x1D000] =	vst v63  }
0x187: {  	s9 =	rddreg [dreg:$0x6]  }
0x188: {  	[spmem:s2] =	stream.indirect.scatter.add.f32 [tilespmem:s17], [sflag:$0x3], $0x80, s9, s15, $0xb8;
	[tilespmem:$0x1D000] =	vst v63  }
0x189: {  	_ =	swait.ge [sflag:s13], $0x4000  }
0x18a: {  	[sflag:s13] =	ssyncset.done $0x0  }
0x18b: {  	[sflag:s13] =	ssyncadd.s32 $0xFFFFC000  }
0x18c: {  	_ =	swait.ge [sflag:s16], $0x4000  }
0x18d: {  	[sflag:s16] =	ssyncset.done $0x0  }
0x18e: {  	s10 =	rddreg [dreg:$0x7];
	[sflag:s16] =	ssyncadd.s32 $0xFFFFC000  }
0x18f: {  	[tilespmem:s17], [sflag:$0x2] =	stream.indirect.gather [hbm4b:s4+s15], $0x80, s10, s15, $0xb8;
	[tilespmem:$0x1D000] =	vst v63  }
0x190: {  	s11 =	rddreg [dreg:$0x8]  }
0x191: {  	[spmem:s2] =	stream.indirect.scatter.add.f32 [tilespmem:s12], [sflag:$0x3], $0x80, s11, s15, $0xb8;
	[tilespmem:$0x1D000] =	vst v63  }
0x192: {  	_ =	swait.ge [sflag:s13], $0x4000  }
0x193: {  	[sflag:s13] =	ssyncset.done $0x0  }
0x194: {  	[sflag:s13] =	ssyncadd.s32 $0xFFFFC000  }
0x195: {  	_ =	swait.ge [sflag:s18], $0x4000  }
0x196: {  	[sflag:s18] =	ssyncset.done $0x0  }
0x197: {  	s10 =	rddreg [dreg:$0x9];
	[sflag:s18] =	ssyncadd.s32 $0xFFFFC000  }
0x198: {  	[tilespmem:s12], [sflag:$0x1] =	stream.indirect.gather [hbm4b:s4+s15], $0x80, s10, s15, $0xb8;
	[tilespmem:$0x1D000] =	vst v63  }
0x199: {  	s11 =	rddreg [dreg:$0xa]  }
0x19a: {  	[spmem:s2] =	stream.indirect.scatter.add.f32 [tilespmem:s17], [sflag:$0x3], $0x80, s11, s15, $0xb8;
	[tilespmem:$0x1D000] =	vst v63  }
0x19b: {  	_ =	swait.ge [sflag:s13], $0x4000  }
0x19c: {  	[sflag:s13] =	ssyncset.done $0x0  }
0x19d: {  	[sflag:s13] =	ssyncadd.s32 $0xFFFFC000  }
0x19e: {  	_ =	swait.ge [sflag:s16], $0x4000  }
0x19f: {  	[sflag:s16] =	ssyncset.done $0x0  }
0x1a0: {  	s10 =	rddreg [dreg:$0xb];
	[sflag:s16] =	ssyncadd.s32 $0xFFFFC000  }
0x1a1: {  	[tilespmem:s17], [sflag:$0x2] =	stream.indirect.gather [hbm4b:s4+s15], $0x80, s10, s15, $0xb8;
	[tilespmem:$0x1D000] =	vst v63  }
0x1a2: {  	s11 =	rddreg [dreg:$0xc]  }
0x1a3: {  	[spmem:s2] =	stream.indirect.scatter.add.f32 [tilespmem:s12], [sflag:$0x3], $0x80, s11, s15, $0xb8;
	[tilespmem:$0x1D000] =	vst v63  }
0x1a4: {  	_ =	swait.ge [sflag:s13], $0x4000  }
0x1a5: {  	[sflag:s13] =	ssyncset.done $0x0  }
0x1a6: {  	[sflag:s13] =	ssyncadd.s32 $0xFFFFC000  }
0x1a7: {  	_ =	swait.ge [sflag:s18], $0x4000  }
0x1a8: {  	[sflag:s18] =	ssyncset.done $0x0  }
0x1a9: {  	s10 =	rddreg [dreg:$0xd];
	[sflag:s18] =	ssyncadd.s32 $0xFFFFC000  }
0x1aa: {  	[tilespmem:s12], [sflag:$0x1] =	stream.indirect.gather [hbm4b:s4+s15], $0x80, s10, s15, $0xb8;
	[tilespmem:$0x1D000] =	vst v63  }
0x1ab: {  	s11 =	rddreg [dreg:$0xe]  }
0x1ac: {  	[spmem:s2] =	stream.indirect.scatter.add.f32 [tilespmem:s17], [sflag:$0x3], $0x80, s11, s15, $0xb8;
	[tilespmem:$0x1D000] =	vst v63  }
0x1ad: {  	_ =	swait.ge [sflag:s13], $0x4000  }
0x1ae: {  	[sflag:s13] =	ssyncset.done $0x0  }
0x1af: {  	[sflag:s13] =	ssyncadd.s32 $0xFFFFC000  }
0x1b0: {  	_ =	swait.ge [sflag:s16], $0x4000  }
0x1b1: {  	[sflag:s16] =	ssyncset.done $0x0  }
0x1b2: {  	s10 =	rddreg [dreg:$0xf];
	[sflag:s16] =	ssyncadd.s32 $0xFFFFC000  }
0x1b3: {  	[tilespmem:s17], [sflag:$0x2] =	stream.indirect.gather [hbm4b:s4+s15], $0x80, s10, s15, $0xb8;
	[tilespmem:$0x1D000] =	vst v63  }
0x1b4: {  	s11 =	rddreg [dreg:$0x10]  }
0x1b5: {  	[spmem:s2] =	stream.indirect.scatter.add.f32 [tilespmem:s12], [sflag:$0x3], $0x80, s11, s15, $0xb8;
	[tilespmem:$0x1D000] =	vst v63  }
0x1b6: {  	_ =	swait.ge [sflag:s13], $0x4000  }
0x1b7: {  	[sflag:s13] =	ssyncset.done $0x0  }
0x1b8: {  	[sflag:s13] =	ssyncadd.s32 $0xFFFFC000  }
0x1b9: {  	_ =	swait.ge [sflag:s18], $0x4000  }
0x1ba: {  	[sflag:s18] =	ssyncset.done $0x0  }
0x1bb: {  	[sflag:s18] =	ssyncadd.s32 $0xFFFFC000  }
0x1bc: {  	[tilespmem:s12], [sflag:$0x1] =	stream.indirect.gather [hbm4b:s4+s15], $0x80, s19, s15, $0xb8;
	[tilespmem:$0x1D000] =	vst v63  }
0x1bd: {  	_ = 	snop  }
0x1be: {  	[spmem:s2] =	stream.indirect.scatter.add.f32 [tilespmem:s17], [sflag:$0x3], $0x80, s20, s15, $0xb8;
	[tilespmem:$0x1D000] =	vst v63  }
0x1bf: {  	_ =	swait.ge [sflag:s13], $0x4000  }
0x1c0: {  	[sflag:s13] =	ssyncset.done $0x0  }
0x1c1: {  	[sflag:s13] =	ssyncadd.s32 $0xFFFFC000  }
0x1c2: {  	_ =	swait.ge [sflag:s16], $0x4000  }
0x1c3: {  	[sflag:s16] =	ssyncset.done $0x0  }
0x1c4: {  	[sflag:s16] =	ssyncadd.s32 $0xFFFFC000  }
0x1c5: {  	[tilespmem:s17], [sflag:$0x2] =	stream.indirect.gather [hbm4b:s4+s15], $0x80, s21, s15, $0xb8;
	[tilespmem:$0x1D000] =	vst v63  }
0x1c6: {  	_ = 	snop  }
0x1c7: {  	[spmem:s2] =	stream.indirect.scatter.add.f32 [tilespmem:s12], [sflag:$0x3], $0x80, s22, s15, $0xb8;
	[tilespmem:$0x1D000] =	vst v63  }
0x1c8: {  	_ =	swait.ge [sflag:s13], $0x4000  }
0x1c9: {  	[sflag:s13] =	ssyncset.done $0x0  }
0x1ca: {  	[sflag:s13] =	ssyncadd.s32 $0xFFFFC000  }
0x1cb: {  	_ =	swait.ge [sflag:s18], $0x4000  }
0x1cc: {  	[sflag:s18] =	ssyncset.done $0x0  }
0x1cd: {  	[sflag:s18] =	ssyncadd.s32 $0xFFFFC000  }
0x1ce: {  	[tilespmem:s12], [sflag:$0x1] =	stream.indirect.gather [hbm4b:s4+s15], $0x80, s23, s15, $0xb8;
	[tilespmem:$0x1D000] =	vst v63  }
0x1cf: {  	_ = 	snop  }
0x1d0: {  	[spmem:s2] =	stream.indirect.scatter.add.f32 [tilespmem:s17], [sflag:$0x3], $0x80, s24, s15, $0xb8;
	[tilespmem:$0x1D000] =	vst v63  }
0x1d1: {  	_ =	swait.ge [sflag:s13], $0x4000  }
0x1d2: {  	[sflag:s13] =	ssyncset.done $0x0  }
0x1d3: {  	[sflag:s13] =	ssyncadd.s32 $0xFFFFC000  }
0x1d4: {  	_ =	swait.ge [sflag:s16], $0x4000  }
0x1d5: {  	[sflag:s16] =	ssyncset.done $0x0  }
0x1d6: {  	[sflag:s16] =	ssyncadd.s32 $0xFFFFC000  }
0x1d7: {  	[tilespmem:s17], [sflag:$0x2] =	stream.indirect.gather [hbm4b:s4+s15], $0x80, s25, s15, $0xb8;
	[tilespmem:$0x1D000] =	vst v63  }
0x1d8: {  	_ = 	snop  }
0x1d9: {  	[spmem:s2] =	stream.indirect.scatter.add.f32 [tilespmem:s12], [sflag:$0x3], $0x80, s26, s15, $0xb8;
	[tilespmem:$0x1D000] =	vst v63  }
0x1da: {  	_ =	swait.ge [sflag:s13], $0x4000  }
0x1db: {  	[sflag:s13] =	ssyncset.done $0x0  }
0x1dc: {  	[sflag:s13] =	ssyncadd.s32 $0xFFFFC000  }
0x1dd: {  	_ =	swait.ge [sflag:s18], $0x4000  }
0x1de: {  	[sflag:s18] =	ssyncset.done $0x0  }
0x1df: {  	[sflag:s18] =	ssyncadd.s32 $0xFFFFC000  }
0x1e0: {  	[tilespmem:s12], [sflag:$0x1] =	stream.indirect.gather [hbm4b:s4+s15], $0x80, s28, s15, $0xb8;
	[tilespmem:$0x1D000] =	vst v63  }
0x1e1: {  	_ = 	snop  }
0x1e2: {  	[spmem:s2] =	stream.indirect.scatter.add.f32 [tilespmem:s17], [sflag:$0x3], $0x80, s29, s15, $0xb8;
	[tilespmem:$0x1D000] =	vst v63  }
0x1e3: {  	_ =	swait.ge [sflag:s13], $0x4000  }
0x1e4: {  	[sflag:s13] =	ssyncset.done $0x0  }
0x1e5: {  	[sflag:s13] =	ssyncadd.s32 $0xFFFFC000  }
0x1e6: {  	_ =	swait.ge [sflag:s16], $0x4000  }
0x1e7: {  	[sflag:s16] =	ssyncset.done $0x0  }
0x1e8: {  	[sflag:s16] =	ssyncadd.s32 $0xFFFFC000  }
0x1e9: {  	[tilespmem:s17], [sflag:$0x2] =	stream.indirect.gather [hbm4b:s4+s15], $0x80, s30, s15, $0xb8;
	[tilespmem:$0x1D000] =	vst v63  }
0x1ea: {  	_ = 	snop  }
0x1eb: {  	[spmem:s2] =	stream.indirect.scatter.add.f32 [tilespmem:s12], [sflag:$0x3], $0x80, s31, s15, $0xb8;
	[tilespmem:$0x1D000] =	vst v63  }
0x1ec: {  	_ =	swait.ge [sflag:s13], $0x4000  }
0x1ed: {  	[sflag:s13] =	ssyncset.done $0x0  }
0x1ee: {  	[sflag:s13] =	ssyncadd.s32 $0xFFFFC000  }
0x1ef: {  	_ =	swait.ge [sflag:s18], $0x4000  }
0x1f0: {  	[sflag:s18] =	ssyncset.done $0x0  }
0x1f1: {  	[sflag:s18] =	ssyncadd.s32 $0xFFFFC000  }
0x1f2: {  	[tilespmem:s12], [sflag:$0x1] =	stream.indirect.gather [hbm4b:s4+s15], $0x80, s1, s15, $0xb8;
	[tilespmem:$0x1D000] =	vst v63  }
0x1f3: {  	_ = 	snop  }
0x1f4: {  	[spmem:s2] =	stream.indirect.scatter.add.f32 [tilespmem:s17], [sflag:$0x3], $0x80, s0, s15, $0xb8;
	[tilespmem:$0x1D000] =	vst v63  }
0x1f5: {  	_ =	swait.ge [sflag:s13], $0x4000  }
0x1f6: {  	[sflag:s13] =	ssyncset.done $0x0  }
0x1f7: {  	[sflag:s13] =	ssyncadd.s32 $0xFFFFC000  }
0x1f8: {  	_ =	swait.ge [sflag:s16], $0x4000  }
0x1f9: {  	[sflag:s16] =	ssyncset.done $0x0  }
0x1fa: {  	[sflag:s16] =	ssyncadd.s32 $0xFFFFC000  }
0x1fb: {  	[tilespmem:s17], [sflag:$0x2] =	stream.indirect.gather [hbm4b:s4+s15], $0x80, s6, s15, $0xb8;
	[tilespmem:$0x1D000] =	vst v63  }
0x1fc: {  	_ = 	snop  }
0x1fd: {  	[spmem:s2] =	stream.indirect.scatter.add.f32 [tilespmem:s12], [sflag:$0x3], $0x80, s7, s15, $0xb8;
	[tilespmem:$0x1D000] =	vst v63  }
0x1fe: {  	_ =	swait.ge [sflag:s13], $0x4000  }
0x1ff: {  	[sflag:s13] =	ssyncset.done $0x0  }
0x200: {  	[sflag:s13] =	ssyncadd.s32 $0xFFFFC000  }
0x201: {  	_ =	swait.ge [sflag:s18], $0x4000  }
0x202: {  	[sflag:s18] =	ssyncset.done $0x0  }
0x203: {  	[sflag:s18] =	ssyncadd.s32 $0xFFFFC000  }
0x204: {  	[spmem:s2] =	stream.indirect.scatter.add.f32 [tilespmem:s17], [sflag:$0x3], $0x80, s8, s15, $0xb8;
	[tilespmem:$0x1D000] =	vst v63  }
0x205: {  	_ =	swait.ge [sflag:s13], $0x4000  }
0x206: {  	[sflag:s13] =	ssyncset.done $0x0  }
0x207: {  	[sflag:s13] =	ssyncadd.s32 $0xFFFFC000  }
0x208: {  	s9 =	stileid.u32;
	[bflag:$0x0] =	sbarrier.arrive $0xFFFF  }
0x209: {  	s5 =	sshll.u32 s9, $0x6;
	s10 =	rddreg [dreg:$0x11]  }
0x20a: {  	s5 =	sor.u32 $0x1C03, s5;
	s11 =	rddreg [dreg:$0x16];
	s9 =	sshrl.u32 s10, $0x3  }
0x20b: {  	[hbm:s11], [sflag:s5] =	dma.local [spmem:s9], $0x2800  }
0x20c: {  	_ =	swait.ge [sflag:s13], $0x2800  }
0x20d: {  	s10 =	rddreg [dreg:$0x18]  }
0x20e: {  	s11 =	rddreg [dreg:$0x17];
	s9 =	sadd.s32 $0x1, s10  }
0x20f: {  	p0 =	sne.s32 s9, s11  }
.Ltmp2:
0x210: {  	_ = 	snop;
	(pc) =	sbr.rel @p0 .LBB2_1-.Ltmp2, $3  }
0x211: {  	_ =	sdelay $0x1  }
0x212: {  	[sflag:s13] =	ssyncset.done $0x0  }
0x213: {  	[sflag:s13] =	ssyncadd.s32 $0xFFFFD800  }
0x214: {  	_ =	sfence.sel $0x180000  }
0x215: {  	[bflag:$0x0] =	sbarrier.arrive $0xFFFF  }
0x216: {  	_ =	strace $0x9000004A  }
0x217: {  	s0 =	stileid.u32;
	[bflag:$0x2] =	sbarrier.arrive $0xFFFF  }
0x218: {  	p0 =	sne.s32 s0, $0x0;
	s0 =	rddreg [dreg:$0x2]  }
0x219: {  	s0 =	sadd.s32 @!p0 $0x100000, s0  }
0x21a: {  	[sflag:s0] =	ssyncadd.tile.s32 @!p0 $0x1;
	_ =	shalt  }
.Lfunc_end2:
_tile_overlayer_lowered:
.L_overlay_start_2:
0x21b: {  	(tag) =	ssettag $0x2  }
0x21c: {  	s0 =	rddreg [dreg:$0x0];
	s2 =	stileid.u32  }
0x21d: {  	s1 =	rddreg [dreg:$0x1];
	p0 =	sne.s32 s2, $0x0  }
0x21e: {  	s3 =	rddreg [dreg:$0x2];
	[bflag:$0x3] =	sbarrier.arrive $0xFFFF;
	s2 =	simm.s32 @!p0 $0x1C03  }
0x21f: {  	[timem:s3], [sflag:s2] =	dma.local @!p0 [hbm:s0], s1  }
0x220: {  	s0 =	simm.s32 @!p0 $0x3  }
0x221: {  	_ =	swait.ge @!p0 [sflag:s0], s1  }
0x222: {  	s1 =	ssub.s32 @!p0 $0x0, s1;
	[sflag:s0] =	ssyncset.done @!p0 $0x0  }
0x223: {  	[sflag:s0] =	ssyncadd.s32 @!p0 s1  }
0x224: {  	[bflag:$0x3] =	sbarrier.arrive $0xFFFF  }
0x225: {  	_ =	shalt  }

// kernel: kernel.14.cloned.1.call-start
scs
__scs_entry_jumppad:
0x0: {  	(pc) =	sbr.rel $0x88, $3  }
0x1: {  	(tag) =	ssettag $0x0;
	lr =	simm.s32 $0x1  }
0x2: {  	[smem:$0x3F9B] =	sst lr;
	_ =	strace $0xD0000000  }
0x3: {  	_ = 	snop  }
0x4: {  	_ = 	snop  }
0x5: {  	_ = 	snop  }
0x6: {  	_ = 	snop  }
0x7: {  	_ = 	snop  }
__scs_overlays_trampoline_lowered:
0x8: {  	[smem:$0x3FAA] =	sst s0  }
0x9: {  	[smem:$0x3FAB] =	sst s1  }
0xa: {  	[smem:$0x3FAC] =	sst s2  }
0xb: {  	[smem:$0x3FAD] =	sst s3  }
0xc: {  	[smem:$0x3FAE] =	sst s4  }
0xd: {  	[smem:$0x3FAF] =	sst s5  }
0xe: {  	[smem:$0x3FB0] =	sst s6  }
0xf: {  	[smem:$0x3FB1] =	sst s7  }
0x10: {  	[smem:$0x3FB2] =	sst s8  }
0x11: {  	[smem:$0x3FB3] =	sst s9;
	s0 =	simm.s32 @!p0 $0x0  }
0x12: {  	s1 =	sld [smem:$0x3F99];
	s0 =	simm.s32 @p0 $0x1  }
0x13: {  	[smem:$0x3FB4] =	sst s0;
	s0 =	simm.s32 @!p1 $0x0  }
0x14: {  	s2 =	sld [smem:$0x3F98];
	s0 =	simm.s32 @p1 $0x1  }
0x15: {  	[smem:$0x3FB5] =	sst s0;
	s0 =	simm.s32 @!p2 $0x0  }
0x16: {  	s3 =	sld [smem:$0x3FDB];
	s0 =	simm.s32 @p2 $0x1  }
0x17: {  	s4 =	simm.s32 $0x1BF5;
	[smem:$0x3FB7] =	sst s0  }
0x18: {  	s0 =	sld [smem:$0x3F9A];
	_ =	swait.ge [sflag:s4], $0x0  }
0x19: {  	s7 =	sld [smem:$0x3F9B]  }
0x1a: {  	s8 =	sadd.s32 $0xFFFFE003, lr  }
0x1b: {  	s9 =	sadd.s32 $0xFFFFFEF7, lr;
	s5 =	simm.s32 $0xFFFFFFFF;
	p2 =	slt.u32 s8, $0xFFFFF086  }
0x1c: {  	p1 =	slt.u32 s9, $0xF7A;
	s5 =	simm.s32 @!p2 $0x0  }
0x1d: {  	s5 =	simm.s32 @p1 $0x1;
	p0 =	seq.s32 s7, s2  }
0x1e: {  	s7 =	smul.u32 @!p0 $0xF7A, s2;
	p2 =	seq.s32 @!p0 s5, $0x0  }
0x1f: {  	s9 =	smul.u32 $0xF7A, s1;
	s8 =	simm.s32 @!p0 $0x1BF5;
	p2 =	por !p2, p0  }
0x20: {  	[sflag:s8] =	ssyncset.s32 @!p0 $0xFFFFF086;
	s6 =	sadd.s32 @!p0 s3, s7;
	s7 =	simm.s32 @!p0 $0x108  }
0x21: {  	s3 =	sadd.s32 s3, s9;
	s6 =	sadd.s32 @!p0 $0x88, s6;
	s7 =	simm.s32 @p2 $0x1082  }
0x22: {  	[simem:s7], [sflag:s8] =	dma.local @!p0 [hbm:s6], $0xF7A  }
0x23: {  	s9 =	sor.u32 $0xD0000000, s2;
	s6 =	simm.s32 $0x108;
	_ =	swait.ge @!p0 [sflag:s8], $0x0  }
0x24: {  	s3 =	sadd.s32 $0x88, s3;
	s6 =	simm.s32 @!p1 $0x1082;
	[sflag:s4] =	ssyncset.s32 $0xFFFFF086  }
0x25: {  	[simem:s6], [sflag:s4] =	dma.local [hbm:s3], $0xF7A  }
0x26: {  	[smem:$0x3F9B] =	sst s1;
	(tag) =	ssettag s2;
	_ =	strace s9  }
0x27: {  	s1 =	sld [smem:$0x3FAB]  }
0x28: {  	s2 =	sld [smem:$0x3FAC]  }
0x29: {  	s4 =	sld [smem:$0x3FAE]  }
0x2a: {  	p0 =	seq.s32 s5, $0x0;
	s5 =	sld [smem:$0x3FAF]  }
0x2b: {  	s6 =	sld [smem:$0x3FB0]  }
0x2c: {  	s7 =	sld [smem:$0x3FB1]  }
0x2d: {  	s3 =	simm.s32 $0x108;
	s8 =	sld [smem:$0x3FB2]  }
0x2e: {  	s3 =	simm.s32 @!p0 $0x1082;
	s9 =	sld [smem:$0x3FB3]  }
0x2f: {  	lr =	sadd.s32 s0, s3;
	s0 =	sld [smem:$0x3FAA]  }
0x30: {  	s3 =	sld [smem:$0x3FAD]  }
0x31: {  	[smem:$0x3FB6] =	sst s10  }
0x32: {  	s10 =	sld [smem:$0x3FB4];
	_ =	sdelay $0x3  }
0x33: {  	p0 =	seq.s32 s10, $0x1;
	s10 =	sld [smem:$0x3FB6];
	_ =	sdelay $0x3  }
0x34: {  	[smem:$0x3FB6] =	sst s10  }
0x35: {  	s10 =	sld [smem:$0x3FB5];
	_ =	sdelay $0x3  }
0x36: {  	p1 =	seq.s32 s10, $0x1;
	s10 =	sld [smem:$0x3FB6];
	_ =	sdelay $0x3  }
0x37: {  	[smem:$0x3FB6] =	sst s10  }
0x38: {  	s10 =	sld [smem:$0x3FB7]  }
0x39: {  	_ = 	snop;
	(pc) =	sbr.ind lr, $3  }
0x3a: {  	_ = 	snop  }
0x3b: {  	_ = 	snop  }
0x3c: {  	p2 =	seq.s32 s10, $0x1;
	s10 =	sld [smem:$0x3FB6]  }
0x3d: {  	_ =	shalt  }
0x3e: {  	_ =	shalt  }
0x3f: {  	_ =	shalt  }
0x40: {  	_ =	shalt  }
0x41: {  	_ =	shalt  }
0x42: {  	_ =	shalt  }
0x43: {  	_ =	shalt  }
0x44: {  	_ =	shalt  }
0x45: {  	_ =	shalt  }
0x46: {  	_ =	shalt  }
0x47: {  	_ =	shalt  }
0x48: {  	_ =	shalt  }
0x49: {  	_ =	shalt  }
0x4a: {  	_ =	shalt  }
0x4b: {  	_ =	shalt  }
0x4c: {  	_ =	shalt  }
0x4d: {  	_ =	shalt  }
0x4e: {  	_ =	shalt  }
0x4f: {  	_ =	shalt  }
0x50: {  	_ =	shalt  }
0x51: {  	_ =	shalt  }
0x52: {  	_ =	shalt  }
0x53: {  	_ =	shalt  }
0x54: {  	_ =	shalt  }
0x55: {  	_ =	shalt  }
0x56: {  	_ =	shalt  }
0x57: {  	_ =	shalt  }
0x58: {  	_ =	shalt  }
0x59: {  	_ =	shalt  }
0x5a: {  	_ =	shalt  }
0x5b: {  	_ =	shalt  }
0x5c: {  	_ =	shalt  }
0x5d: {  	_ =	shalt  }
0x5e: {  	_ =	shalt  }
0x5f: {  	_ =	shalt  }
0x60: {  	_ =	shalt  }
0x61: {  	_ =	shalt  }
0x62: {  	_ =	shalt  }
0x63: {  	_ =	shalt  }
0x64: {  	_ =	shalt  }
0x65: {  	_ =	shalt  }
0x66: {  	_ =	shalt  }
0x67: {  	_ =	shalt  }
0x68: {  	_ =	shalt  }
0x69: {  	_ =	shalt  }
0x6a: {  	_ =	shalt  }
0x6b: {  	_ =	shalt  }
0x6c: {  	_ =	shalt  }
0x6d: {  	_ =	shalt  }
0x6e: {  	_ =	shalt  }
0x6f: {  	_ =	shalt  }
0x70: {  	_ =	shalt  }
0x71: {  	_ =	shalt  }
0x72: {  	_ =	shalt  }
0x73: {  	_ =	shalt  }
0x74: {  	_ =	shalt  }
0x75: {  	_ =	shalt  }
0x76: {  	_ =	shalt  }
0x77: {  	_ =	shalt  }
0x78: {  	_ =	shalt  }
0x79: {  	_ =	shalt  }
0x7a: {  	_ =	shalt  }
0x7b: {  	_ =	shalt  }
0x7c: {  	_ =	shalt  }
0x7d: {  	_ =	shalt  }
0x7e: {  	_ =	shalt  }
0x7f: {  	_ =	shalt  }
0x80: {  	_ =	shalt  }
0x81: {  	_ =	shalt  }
0x82: {  	_ =	shalt  }
0x83: {  	_ =	shalt  }
0x84: {  	_ =	shalt  }
0x85: {  	_ =	shalt  }
0x86: {  	_ =	shalt  }
0x87: {  	_ =	shalt  }
.Lfunc_end0:
.L_simem_size_0:
called_computation.2_lowered:
.L_overlay_start_0:
0x88: {  	s2 =	sld [smem:$0x3FD9]  }
0x89: {  	s3 =	sld [smem:$0x3FFE];
	_ =	sdelay $0x1  }
0x8a: {  	s1 =	srdreg.scid  }
0x8b: {  	s0 =	sand.u32 $0x1, s1  }
0x8c: {  	s16 =	sshll.u32 s0, $0xA;
	s2 =	sadd.s32 s3, s2  }
0x8d: {  	s2 =	sadd.s32 s2, s16  }
0x8e: {  	[smem:$0x3FC2] =	sst s2  }
0x8f: {  	_ = 	snop  }
0x90: {  	(tm) =	ssettm $0x1  }
0x91: {  	s17 =	sld [smem:$0x3FFB];
	_ =	sdelay $0x3  }
0x92: {  	_ =	strace s17  }
0x93: {  	s2 =	sld [smem:$0x3FFC];
	_ =	sdelay $0x3  }
0x94: {  	_ =	strace s2  }
0x95: {  	s2 =	sld [smem:$0x3FFD];
	_ =	sdelay $0x3  }
0x96: {  	_ =	strace s2  }
0x97: {  	_ =	strace $0x8FFFFFFF  }
0x98: {  	s18 =	sld [smem:$0x3FDB];
	_ =	sdelay $0x1  }
0x99: {  	s19 =	simm.s32 $_scs_section_size  }
0x9a: {  	s4 =	simm.s32 $_size__tile_overlayer_lowered;
	s5 =	simm.s32 $_tile_overlayer_lowered  }
0x9b: {  	s22 =	simm.s32 $0x1BFF;
	s21 =	sshll.u32 s5, $0x1;
	s2 =	sadd.s32 s19, s18  }
0x9c: {  	s6 =	simm.s32 $0x0;
	s20 =	sshll.u32 s4, $0x1;
	s4 =	sadd.s32 s21, s2  }
0x9d: {  	[timem:s6], [sflag:s22] =	dma.local [hbm:s4], s20  }
0x9e: {  	_ =	swait.ge [sflag:s22], s20  }
0x9f: {  	s3 =	ssub.s32 $0x0, s20;
	[sflag:s22] =	ssyncset.done $0x0  }
0xa0: {  	[sflag:s22] =	ssyncadd.s32 s3;
	_ =	sdelay $0x1  }
0xa1: {  	s23 =	simm.s32 $0x1B8B  }
0xa2: {  	_ =	swait.ge [sflag:s23], $0x1  }
0xa3: {  	[sflag:s23] =	ssyncset.done $0x0  }
0xa4: {  	s25 =	simm.s32 $0x1B8E;
	s24 =	sld [smem:$0x3FFE];
	[sflag:s23] =	ssyncadd.s32 $0xFFFFFFFF  }
0xa5: {  	s26 =	simm.s32 $execute0_lowered;
	[smem:$0x3FD2] =	sst s25  }
0xa6: {  	s4 =	sshll.u32 s26, $0x1;
	_ =	strace $0x8000004C;
	[dreg:$0x1] =	wrdreg $0xFFFFFFFF  }
0xa7: {  	s28 =	simm.s32 $_size_execute0_lowered;
	s2 =	sadd.s32 s2, s4;
	[dreg:$0x0] =	wrdreg $0x0  }
0xa8: {  	s4 =	sshll.u32 s28, $0x1;
	[dreg:$0x2] =	wrdreg s2  }
0xa9: {  	[dreg:$0x3] =	wrdreg s4  }
0xaa: {  	[dreg:$0x4] =	wrdreg $0xC0  }
0xab: {  	_ =	task [dreg:s6], $0x5FFFF  }
0xac: {  	[dreg:$0x1] =	wrdreg $0xFFFFFFFF  }
0xad: {  	[dreg:$0x0] =	wrdreg $0x60  }
0xae: {  	[dreg:$0x2] =	wrdreg s24  }
0xaf: {  	[dreg:$0x3] =	wrdreg $0x38000  }
0xb0: {  	[dreg:$0x4] =	wrdreg $0x9  }
0xb1: {  	_ =	task.clear_ibuf [dreg:s6], $0x5FFFF;
	_ =	strace $0x9000004C  }
0xb2: {  	s29 =	simm.s32 $0x9;
	_ =	strace $0x8000004E  }
0xb3: {  	_ =	swait.ge [sflag:s29], $0x1  }
0xb4: {  	[sflag:s29] =	ssyncadd.s32 $0xFFFFFFFF  }
0xb5: {  	_ =	strace $0x9000004E  }
0xb6: {  	_ =	sfence  }
0xb7: {  	s30 =	sld [smem:$0x0];
	_ =	sdelay $0x2  }
0xb8: {  	s31 =	sshll.u32 s1, $0xD;
	s1 =	sshrl.u32 s1, $0x2  }
0xb9: {  	s3 =	sand.u32 $0x4000, s31;
	s1 =	sadd.s32 s1, s30  }
0xba: {  	s0 =	sor.u32 s3, s0;
	s1 =	sshll.u32 s1, $0x11  }
0xbb: {  	s0 =	sor.u32 s1, s0  }
0xbc: {  	s0 =	sadd.s32 $0x8F2B, s0  }
0xbd: {  	[sflag:s0] =	ssyncadd.remote.s32 $0x1  }
0xbe: {  	_ =	sfence.sel $0xFFFF  }
0xbf: {  	[dreg:$0x0] =	wrdreg $0xFFFFFFFF;
	(pc) =	sbr.abs _section_cstart, $3  }
0xc0: {  	[dreg:$0x1] =	wrdreg $0xFFFFFFFF  }
0xc1: {  	_ =	task.clear_ibuf [dreg:s6], $0x2FFFF;
	_ =	strace $0x9FFFFFFF  }
0xc2: {  	(tm) =	ssettm $0x7FFFFFFF  }
0xc3: {  	_ =	shalt  }
tec
execute0_lowered:
.L_overlay_start_1:
0x0: {  	(tag) =	ssettag $0x1  }
0x1: {  	s5 =	rddreg [dreg:$0x0]  }
0x2: {  	s0 =	srdreg.scid;
	s2 =	rddreg [dreg:$0x1]  }
0x3: {  	s1 =	rddreg [dreg:$0x2];
	s3 =	simm.s32 $0x0;
	s14 =	simm.s32 $0x2800  }
0x4: {  	s15 =	simm.s32 $0x3;
	s16 =	simm.s32 $0x1400;
	s6 =	sand.u32 $0x1, s0  }
0x5: {  	s17 =	simm.s32 $0x80;
	s0 =	stileid.u32;
	s7 =	smul.u32 $0x14000, s6  }
0x6: {  	s18 =	simm.s32 $0x1;
	s19 =	simm.s32 $0x3000;
	s8 =	smul.u32 $0x1400, s0  }
0x7: {  	s20 =	simm.s32 $0x2;
	s21 =	simm.s32 $0x1380;
	s9 =	smul.u32 $0x2800, s0  }
0x8: {  	s22 =	simm.s32 $0x2700;
	s23 =	simm.s32 $0x2780;
	s10 =	smul.u32 $0x28000, s6  }
0x9: {  	[smem:$0x7FF] =	sst s3;
	s26 =	smul.u32 $0xA000, s0;
	s6 =	ssub.s32 $0x2, s6  }
0xa: {  	s4 =	sadd.s32 $0x5E00, s5;
	_ =	strace $0x8000004D;
	s29 =	sshrl.u32 s6, $0x1  }
0xb: {  	s7 =	sadd.s32 s8, s7;
	s25 =	sadd.s32 s9, s10;
	s30 =	sshrl.u32 s26, $0x2  }
0xc: {  	s13 =	ssub.s32 s6, s29;
	s7 =	sshrl.u32 s7, $0x3;
	s28 =	sshrl.u32 s25, $0x3  }
0xd: {  	s31 =	sadd.s32 s30, s2;
	s13 =	smax.u32 s13, $0x1;
	s11 =	sadd.s32 s7, s5  }
0xe: {  	s12 =	sadd.s32 s28, s5;
	s5 =	sadd.s32 s9, s2;
	s6 =	sadd.s32 $0x800, s31  }
0xf: {  	s7 =	sadd.s32 $0x1000, s31;
	s8 =	sadd.s32 $0x1800, s31;
	s9 =	sadd.s32 $0x2000, s31  }
0x10: {  	v0 =	vimm.f32 $0.0e+00;
	s10 =	sadd.s32 $0xFE00, s11;
	s11 =	sadd.s32 $0xE00, s11;
	s12 =	sadd.s32 $0x14E00, s12  }
.LBB2_1:
0x11: {  	s24 =	simm.s32 $0x40;
	s25 =	simm.s32 $0x0  }
.LBB2_2:
0x12: {  	p0 =	sne.s32 s24, $0x1FC0;
	[tilespmem:s25+$0x2800] =	vst v0;
	s25 =	smov.u32 s24;
	s24 =	sadd.s32 $0x40, s24  }
.Ltmp0:
0x13: {  	(pc) =	sbr.rel @p0 .LBB2_2-.Ltmp0, $2  }
0x14: {  	_ =	sdelay $0x2  }
0x15: {  	s25 =	sshra.s32 s25, $0x2  }
0x16: {  	[tilespmem:s25+$0x2800] =	vst v0  }
0x17: {  	[spmem:s5] =	stream.linear.scatter [tilespmem:s14], [sflag:$0x3], $0x800, $0x38;
	[tilespmem:$0x6000] =	vst v63  }
0x18: {  	_ =	swait.ge [sflag:s15], $0x800  }
0x19: {  	[sflag:s15] =	ssyncset.done $0x0  }
0x1a: {  	[sflag:s15] =	ssyncadd.s32 $0xFFFFF800  }
0x1b: {  	[spmem:s6] =	stream.linear.scatter [tilespmem:s14], [sflag:$0x3], $0x800, $0x38;
	[tilespmem:$0x6000] =	vst v63  }
0x1c: {  	_ =	swait.ge [sflag:s15], $0x800  }
0x1d: {  	[sflag:s15] =	ssyncset.done $0x0  }
0x1e: {  	[sflag:s15] =	ssyncadd.s32 $0xFFFFF800  }
0x1f: {  	[spmem:s7] =	stream.linear.scatter [tilespmem:s14], [sflag:$0x3], $0x800, $0x38;
	[tilespmem:$0x6000] =	vst v63  }
0x20: {  	_ =	swait.ge [sflag:s15], $0x800  }
0x21: {  	[sflag:s15] =	ssyncset.done $0x0  }
0x22: {  	[sflag:s15] =	ssyncadd.s32 $0xFFFFF800  }
0x23: {  	[spmem:s8] =	stream.linear.scatter [tilespmem:s14], [sflag:$0x3], $0x800, $0x38;
	[tilespmem:$0x6000] =	vst v63  }
0x24: {  	_ =	swait.ge [sflag:s15], $0x800  }
0x25: {  	[sflag:s15] =	ssyncset.done $0x0  }
0x26: {  	[sflag:s15] =	ssyncadd.s32 $0xFFFFF800  }
0x27: {  	[spmem:s9] =	stream.linear.scatter [tilespmem:s14], [sflag:$0x3], $0x800, $0x38;
	[tilespmem:$0x6000] =	vst v63  }
0x28: {  	_ =	swait.ge [sflag:s15], $0x800  }
0x29: {  	[sflag:s15] =	ssyncset.done $0x0  }
0x2a: {  	s24 =	simm.s32 $0x0;
	[sflag:s15] =	ssyncadd.s32 $0xFFFFF800  }
0x2b: {  	[tilespmem:s24], [sflag:$0x3] =	stream.linear.gather [hbm4b:s10+s24], $0x1400, $0x38;
	[tilespmem:$0x6000] =	vst v63  }
0x2c: {  	_ =	swait.ge [sflag:s15], $0x1400  }
0x2d: {  	[sflag:s15] =	ssyncset.done $0x0  }
0x2e: {  	[sflag:s15] =	ssyncadd.s32 $0xFFFFEC00  }
0x2f: {  	[tilespmem:s16], [sflag:$0x3] =	stream.linear.gather [hbm4b:s11+s24], $0x1400, $0x38;
	[tilespmem:$0x6000] =	vst v63  }
0x30: {  	_ =	swait.ge [sflag:s15], $0x1400  }
0x31: {  	[sflag:s15] =	ssyncset.done $0x0  }
0x32: {  	[sflag:s15] =	ssyncadd.s32 $0xFFFFEC00  }
0x33: {  	[bflag:$0x0] =	sbarrier.arrive $0xFFFF  }
0x34: {  	[tilespmem:s14], [sflag:$0x1] =	stream.indirect.gather [hbm4b:s4+s17], $0x10, s24, s17, $0xb8;
	[tilespmem:$0x6000] =	vst v63  }
0x35: {  	_ =	swait.ge [sflag:s18], $0x800  }
0x36: {  	[sflag:s18] =	ssyncset.done $0x0  }
0x37: {  	s28 =	simm.s32 $0x80;
	[sflag:s18] =	ssyncadd.s32 $0xFFFFF800  }
0x38: {  	[tilespmem:s19], [sflag:$0x2] =	stream.indirect.gather [hbm4b:s4+s17], $0x10, s28, s17, $0xb8;
	[tilespmem:$0x6000] =	vst v63  }
0x39: {  	s29 =	simm.s32 $0x1400  }
0x3a: {  	[spmem:s2] =	stream.indirect.scatter.add.f32 [tilespmem:s14], [sflag:$0x3], $0x10, s29, s17, $0xb8;
	[tilespmem:$0x6000] =	vst v63  }
0x3b: {  	_ =	swait.ge [sflag:s15], $0x800  }
0x3c: {  	[sflag:s15] =	ssyncset.done $0x0  }
0x3d: {  	[sflag:s15] =	ssyncadd.s32 $0xFFFFF800  }
0x3e: {  	_ =	swait.ge [sflag:s20], $0x800  }
0x3f: {  	[sflag:s20] =	ssyncset.done $0x0  }
0x40: {  	s30 =	simm.s32 $0x100;
	[sflag:s20] =	ssyncadd.s32 $0xFFFFF800  }
0x41: {  	[tilespmem:s14], [sflag:$0x1] =	stream.indirect.gather [hbm4b:s4+s17], $0x10, s30, s17, $0xb8;
	[tilespmem:$0x6000] =	vst v63  }
0x42: {  	s31 =	simm.s32 $0x1480  }
0x43: {  	[spmem:s2] =	stream.indirect.scatter.add.f32 [tilespmem:s19], [sflag:$0x3], $0x10, s31, s17, $0xb8;
	[tilespmem:$0x6000] =	vst v63  }
0x44: {  	_ =	swait.ge [sflag:s15], $0x800  }
0x45: {  	s24 =	simm.s32 $0x400;
	[sflag:s15] =	ssyncset.done $0x0  }
.LBB2_4:
0x46: {  	p0 =	sne.s32 s24, $0x4800  }
0x47: {  	[sflag:s15] =	ssyncadd.s32 $0xFFFFF800;
	s25 =	smov.u32 s24;
	s24 =	sadd.s32 $0x400, s24  }
0x48: {  	_ = 	snop  }
0x49: {  	_ =	swait.ge [sflag:s18], $0x800  }
0x4a: {  	s25 =	sshra.s32 s25, $0x2;
	[sflag:s18] =	ssyncset.done $0x0  }
0x4b: {  	s26 =	sadd.s32 $0x80, s25;
	[sflag:s18] =	ssyncadd.s32 $0xFFFFF800  }
0x4c: {  	[tilespmem:s19], [sflag:$0x2] =	stream.indirect.gather [hbm4b:s4+s17], $0x10, s26, s17, $0xb8;
	[tilespmem:$0x6000] =	vst v63  }
0x4d: {  	s26 =	sadd.s32 $0x1400, s25  }
0x4e: {  	[spmem:s2] =	stream.indirect.scatter.add.f32 [tilespmem:s14], [sflag:$0x3], $0x10, s26, s17, $0xb8;
	[tilespmem:$0x6000] =	vst v63  }
0x4f: {  	_ =	swait.ge [sflag:s15], $0x800  }
0x50: {  	[sflag:s15] =	ssyncset.done $0x0  }
0x51: {  	[sflag:s15] =	ssyncadd.s32 $0xFFFFF800  }
0x52: {  	_ =	swait.ge [sflag:s20], $0x800  }
0x53: {  	[sflag:s20] =	ssyncset.done $0x0  }
0x54: {  	s26 =	sadd.s32 $0x100, s25;
	[sflag:s20] =	ssyncadd.s32 $0xFFFFF800  }
0x55: {  	[tilespmem:s14], [sflag:$0x1] =	stream.indirect.gather [hbm4b:s4+s17], $0x10, s26, s17, $0xb8;
	[tilespmem:$0x6000] =	vst v63  }
.Ltmp1:
0x56: {  	_ = 	snop;
	(pc) =	sbr.rel @p0 .LBB2_4-.Ltmp1, $4  }
0x57: {  	s25 =	sadd.s32 $0x1480, s25  }
0x58: {  	[spmem:s2] =	stream.indirect.scatter.add.f32 [tilespmem:s19], [sflag:$0x3], $0x10, s25, s17, $0xb8;
	[tilespmem:$0x6000] =	vst v63  }
0x59: {  	_ =	swait.ge [sflag:s15], $0x800  }
0x5a: {  	[sflag:s15] =	ssyncset.done $0x0  }
0x5b: {  	[sflag:s15] =	ssyncadd.s32 $0xFFFFF800  }
0x5c: {  	_ =	swait.ge [sflag:s18], $0x800  }
0x5d: {  	[sflag:s18] =	ssyncset.done $0x0  }
0x5e: {  	[sflag:s18] =	ssyncadd.s32 $0xFFFFF800  }
0x5f: {  	[tilespmem:s19], [sflag:$0x2] =	stream.indirect.gather [hbm4b:s4+s17], $0x10, s21, s17, $0xb8;
	[tilespmem:$0x6000] =	vst v63  }
0x60: {  	_ = 	snop  }
0x61: {  	[spmem:s2] =	stream.indirect.scatter.add.f32 [tilespmem:s14], [sflag:$0x3], $0x10, s22, s17, $0xb8;
	[tilespmem:$0x6000] =	vst v63  }
0x62: {  	_ =	swait.ge [sflag:s15], $0x800  }
0x63: {  	[sflag:s15] =	ssyncset.done $0x0  }
0x64: {  	[sflag:s15] =	ssyncadd.s32 $0xFFFFF800  }
0x65: {  	_ =	swait.ge [sflag:s20], $0x800  }
0x66: {  	[sflag:s20] =	ssyncset.done $0x0  }
0x67: {  	[sflag:s20] =	ssyncadd.s32 $0xFFFFF800  }
0x68: {  	[spmem:s2] =	stream.indirect.scatter.add.f32 [tilespmem:s19], [sflag:$0x3], $0x10, s23, s17, $0xb8;
	[tilespmem:$0x6000] =	vst v63  }
0x69: {  	_ =	swait.ge [sflag:s15], $0x800  }
0x6a: {  	s24 =	sshll.u32 s0, $0x6;
	s3 =	sadd.s32 $0x1, s3;
	[sflag:s15] =	ssyncset.done $0x0  }
0x6b: {  	s25 =	sshrl.u32 s5, $0x3;
	p0 =	sne.s32 s3, s13;
	[sflag:s15] =	ssyncadd.s32 $0xFFFFF800  }
.Ltmp2:
0x6c: {  	s24 =	sor.u32 $0x1C03, s24;
	[bflag:$0x0] =	sbarrier.arrive $0xFFFF;
	(pc) =	sbr.rel @p0 .LBB2_1-.Ltmp2, $4  }
0x6d: {  	[hbm:s12], [sflag:s24] =	dma.local [spmem:s25], $0x500  }
0x6e: {  	_ =	swait.ge [sflag:s15], $0x500  }
0x6f: {  	[sflag:s15] =	ssyncset.done $0x0  }
0x70: {  	[sflag:s15] =	ssyncadd.s32 $0xFFFFFB00  }
0x71: {  	_ =	sfence.sel $0x180000  }
0x72: {  	[bflag:$0x0] =	sbarrier.arrive $0xFFFF  }
0x73: {  	p0 =	sne.s32 s0, $0x0;
	_ =	strace $0x9000004D  }
0x74: {  	s0 =	sadd.s32 @!p0 $0x100000, s1;
	[bflag:$0x2] =	sbarrier.arrive $0xFFFF  }
0x75: {  	[sflag:s0] =	ssyncadd.tile.s32 @!p0 $0x1;
	_ =	shalt  }
.Lfunc_end2:
_tile_overlayer_lowered:
.L_overlay_start_2:
0x76: {  	(tag) =	ssettag $0x2  }
0x77: {  	s0 =	rddreg [dreg:$0x0];
	s2 =	stileid.u32  }
0x78: {  	s1 =	rddreg [dreg:$0x1];
	p0 =	sne.s32 s2, $0x0  }
0x79: {  	s3 =	rddreg [dreg:$0x2];
	[bflag:$0x3] =	sbarrier.arrive $0xFFFF;
	s2 =	simm.s32 @!p0 $0x1C03  }
0x7a: {  	[timem:s3], [sflag:s2] =	dma.local @!p0 [hbm:s0], s1  }
0x7b: {  	s0 =	simm.s32 @!p0 $0x3  }
0x7c: {  	_ =	swait.ge @!p0 [sflag:s0], s1  }
0x7d: {  	s1 =	ssub.s32 @!p0 $0x0, s1;
	[sflag:s0] =	ssyncset.done @!p0 $0x0  }
0x7e: {  	[sflag:s0] =	ssyncadd.s32 @!p0 s1  }
0x7f: {  	[bflag:$0x3] =	sbarrier.arrive $0xFFFF  }
0x80: {  	_ =	shalt  }

// kernel: kernel.8.cloned.1.call-start
scs
__scs_entry_jumppad:
0x0: {  	(pc) =	sbr.rel $0x88, $3  }
0x1: {  	(tag) =	ssettag $0x0;
	lr =	simm.s32 $0x1  }
0x2: {  	[smem:$0x3F9B] =	sst lr;
	_ =	strace $0xD0000000  }
0x3: {  	_ = 	snop  }
0x4: {  	_ = 	snop  }
0x5: {  	_ = 	snop  }
0x6: {  	_ = 	snop  }
0x7: {  	_ = 	snop  }
__scs_overlays_trampoline_lowered:
0x8: {  	[smem:$0x3FAA] =	sst s0  }
0x9: {  	[smem:$0x3FAB] =	sst s1  }
0xa: {  	[smem:$0x3FAC] =	sst s2  }
0xb: {  	[smem:$0x3FAD] =	sst s3  }
0xc: {  	[smem:$0x3FAE] =	sst s4  }
0xd: {  	[smem:$0x3FAF] =	sst s5  }
0xe: {  	[smem:$0x3FB0] =	sst s6  }
0xf: {  	[smem:$0x3FB1] =	sst s7  }
0x10: {  	[smem:$0x3FB2] =	sst s8  }
0x11: {  	[smem:$0x3FB3] =	sst s9;
	s0 =	simm.s32 @!p0 $0x0  }
0x12: {  	s1 =	sld [smem:$0x3F99];
	s0 =	simm.s32 @p0 $0x1  }
0x13: {  	[smem:$0x3FB4] =	sst s0;
	s0 =	simm.s32 @!p1 $0x0  }
0x14: {  	s2 =	sld [smem:$0x3F98];
	s0 =	simm.s32 @p1 $0x1  }
0x15: {  	[smem:$0x3FB5] =	sst s0;
	s0 =	simm.s32 @!p2 $0x0  }
0x16: {  	s3 =	sld [smem:$0x3FDB];
	s0 =	simm.s32 @p2 $0x1  }
0x17: {  	s4 =	simm.s32 $0x1BF5;
	[smem:$0x3FB7] =	sst s0  }
0x18: {  	s0 =	sld [smem:$0x3F9A];
	_ =	swait.ge [sflag:s4], $0x0  }
0x19: {  	s7 =	sld [smem:$0x3F9B]  }
0x1a: {  	s8 =	sadd.s32 $0xFFFFE003, lr  }
0x1b: {  	s9 =	sadd.s32 $0xFFFFFEF7, lr;
	s5 =	simm.s32 $0xFFFFFFFF;
	p2 =	slt.u32 s8, $0xFFFFF086  }
0x1c: {  	p1 =	slt.u32 s9, $0xF7A;
	s5 =	simm.s32 @!p2 $0x0  }
0x1d: {  	s5 =	simm.s32 @p1 $0x1;
	p0 =	seq.s32 s7, s2  }
0x1e: {  	s7 =	smul.u32 @!p0 $0xF7A, s2;
	p2 =	seq.s32 @!p0 s5, $0x0  }
0x1f: {  	s9 =	smul.u32 $0xF7A, s1;
	s8 =	simm.s32 @!p0 $0x1BF5;
	p2 =	por !p2, p0  }
0x20: {  	[sflag:s8] =	ssyncset.s32 @!p0 $0xFFFFF086;
	s6 =	sadd.s32 @!p0 s3, s7;
	s7 =	simm.s32 @!p0 $0x108  }
0x21: {  	s3 =	sadd.s32 s3, s9;
	s6 =	sadd.s32 @!p0 $0x88, s6;
	s7 =	simm.s32 @p2 $0x1082  }
0x22: {  	[simem:s7], [sflag:s8] =	dma.local @!p0 [hbm:s6], $0xF7A  }
0x23: {  	s9 =	sor.u32 $0xD0000000, s2;
	s6 =	simm.s32 $0x108;
	_ =	swait.ge @!p0 [sflag:s8], $0x0  }
0x24: {  	s3 =	sadd.s32 $0x88, s3;
	s6 =	simm.s32 @!p1 $0x1082;
	[sflag:s4] =	ssyncset.s32 $0xFFFFF086  }
0x25: {  	[simem:s6], [sflag:s4] =	dma.local [hbm:s3], $0xF7A  }
0x26: {  	[smem:$0x3F9B] =	sst s1;
	(tag) =	ssettag s2;
	_ =	strace s9  }
0x27: {  	s1 =	sld [smem:$0x3FAB]  }
0x28: {  	s2 =	sld [smem:$0x3FAC]  }
0x29: {  	s4 =	sld [smem:$0x3FAE]  }
0x2a: {  	p0 =	seq.s32 s5, $0x0;
	s5 =	sld [smem:$0x3FAF]  }
0x2b: {  	s6 =	sld [smem:$0x3FB0]  }
0x2c: {  	s7 =	sld [smem:$0x3FB1]  }
0x2d: {  	s3 =	simm.s32 $0x108;
	s8 =	sld [smem:$0x3FB2]  }
0x2e: {  	s3 =	simm.s32 @!p0 $0x1082;
	s9 =	sld [smem:$0x3FB3]  }
0x2f: {  	lr =	sadd.s32 s0, s3;
	s0 =	sld [smem:$0x3FAA]  }
0x30: {  	s3 =	sld [smem:$0x3FAD]  }
0x31: {  	[smem:$0x3FB6] =	sst s10  }
0x32: {  	s10 =	sld [smem:$0x3FB4];
	_ =	sdelay $0x3  }
0x33: {  	p0 =	seq.s32 s10, $0x1;
	s10 =	sld [smem:$0x3FB6];
	_ =	sdelay $0x3  }
0x34: {  	[smem:$0x3FB6] =	sst s10  }
0x35: {  	s10 =	sld [smem:$0x3FB5];
	_ =	sdelay $0x3  }
0x36: {  	p1 =	seq.s32 s10, $0x1;
	s10 =	sld [smem:$0x3FB6];
	_ =	sdelay $0x3  }
0x37: {  	[smem:$0x3FB6] =	sst s10  }
0x38: {  	s10 =	sld [smem:$0x3FB7]  }
0x39: {  	_ = 	snop;
	(pc) =	sbr.ind lr, $3  }
0x3a: {  	_ = 	snop  }
0x3b: {  	_ = 	snop  }
0x3c: {  	p2 =	seq.s32 s10, $0x1;
	s10 =	sld [smem:$0x3FB6]  }
0x3d: {  	_ =	shalt  }
0x3e: {  	_ =	shalt  }
0x3f: {  	_ =	shalt  }
0x40: {  	_ =	shalt  }
0x41: {  	_ =	shalt  }
0x42: {  	_ =	shalt  }
0x43: {  	_ =	shalt  }
0x44: {  	_ =	shalt  }
0x45: {  	_ =	shalt  }
0x46: {  	_ =	shalt  }
0x47: {  	_ =	shalt  }
0x48: {  	_ =	shalt  }
0x49: {  	_ =	shalt  }
0x4a: {  	_ =	shalt  }
0x4b: {  	_ =	shalt  }
0x4c: {  	_ =	shalt  }
0x4d: {  	_ =	shalt  }
0x4e: {  	_ =	shalt  }
0x4f: {  	_ =	shalt  }
0x50: {  	_ =	shalt  }
0x51: {  	_ =	shalt  }
0x52: {  	_ =	shalt  }
0x53: {  	_ =	shalt  }
0x54: {  	_ =	shalt  }
0x55: {  	_ =	shalt  }
0x56: {  	_ =	shalt  }
0x57: {  	_ =	shalt  }
0x58: {  	_ =	shalt  }
0x59: {  	_ =	shalt  }
0x5a: {  	_ =	shalt  }
0x5b: {  	_ =	shalt  }
0x5c: {  	_ =	shalt  }
0x5d: {  	_ =	shalt  }
0x5e: {  	_ =	shalt  }
0x5f: {  	_ =	shalt  }
0x60: {  	_ =	shalt  }
0x61: {  	_ =	shalt  }
0x62: {  	_ =	shalt  }
0x63: {  	_ =	shalt  }
0x64: {  	_ =	shalt  }
0x65: {  	_ =	shalt  }
0x66: {  	_ =	shalt  }
0x67: {  	_ =	shalt  }
0x68: {  	_ =	shalt  }
0x69: {  	_ =	shalt  }
0x6a: {  	_ =	shalt  }
0x6b: {  	_ =	shalt  }
0x6c: {  	_ =	shalt  }
0x6d: {  	_ =	shalt  }
0x6e: {  	_ =	shalt  }
0x6f: {  	_ =	shalt  }
0x70: {  	_ =	shalt  }
0x71: {  	_ =	shalt  }
0x72: {  	_ =	shalt  }
0x73: {  	_ =	shalt  }
0x74: {  	_ =	shalt  }
0x75: {  	_ =	shalt  }
0x76: {  	_ =	shalt  }
0x77: {  	_ =	shalt  }
0x78: {  	_ =	shalt  }
0x79: {  	_ =	shalt  }
0x7a: {  	_ =	shalt  }
0x7b: {  	_ =	shalt  }
0x7c: {  	_ =	shalt  }
0x7d: {  	_ =	shalt  }
0x7e: {  	_ =	shalt  }
0x7f: {  	_ =	shalt  }
0x80: {  	_ =	shalt  }
0x81: {  	_ =	shalt  }
0x82: {  	_ =	shalt  }
0x83: {  	_ =	shalt  }
0x84: {  	_ =	shalt  }
0x85: {  	_ =	shalt  }
0x86: {  	_ =	shalt  }
0x87: {  	_ =	shalt  }
.Lfunc_end0:
.L_simem_size_0:
called_computation_lowered:
.L_overlay_start_0:
0x88: {  	s2 =	sld [smem:$0x3FD9]  }
0x89: {  	s3 =	sld [smem:$0x3FFE];
	_ =	sdelay $0x1  }
0x8a: {  	s1 =	srdreg.scid  }
0x8b: {  	s0 =	sand.u32 $0x1, s1  }
0x8c: {  	s16 =	sshll.u32 s0, $0xA;
	s2 =	sadd.s32 s3, s2  }
0x8d: {  	s2 =	sadd.s32 s2, s16  }
0x8e: {  	[smem:$0x3FC2] =	sst s2  }
0x8f: {  	_ = 	snop  }
0x90: {  	(tm) =	ssettm $0x1  }
0x91: {  	s17 =	sld [smem:$0x3FFB];
	_ =	sdelay $0x3  }
0x92: {  	_ =	strace s17  }
0x93: {  	s2 =	sld [smem:$0x3FFC];
	_ =	sdelay $0x3  }
0x94: {  	_ =	strace s2  }
0x95: {  	s2 =	sld [smem:$0x3FFD];
	_ =	sdelay $0x3  }
0x96: {  	_ =	strace s2  }
0x97: {  	_ =	strace $0x8FFFFFFF  }
0x98: {  	s18 =	sld [smem:$0x3FDB];
	_ =	sdelay $0x1  }
0x99: {  	s19 =	simm.s32 $_scs_section_size  }
0x9a: {  	s4 =	simm.s32 $_size__tile_overlayer_lowered;
	s5 =	simm.s32 $_tile_overlayer_lowered  }
0x9b: {  	s22 =	simm.s32 $0x1BFF;
	s21 =	sshll.u32 s5, $0x1;
	s2 =	sadd.s32 s19, s18  }
0x9c: {  	s6 =	simm.s32 $0x0;
	s20 =	sshll.u32 s4, $0x1;
	s4 =	sadd.s32 s21, s2  }
0x9d: {  	[timem:s6], [sflag:s22] =	dma.local [hbm:s4], s20  }
0x9e: {  	_ =	swait.ge [sflag:s22], s20  }
0x9f: {  	s3 =	ssub.s32 $0x0, s20;
	[sflag:s22] =	ssyncset.done $0x0  }
0xa0: {  	[sflag:s22] =	ssyncadd.s32 s3;
	_ =	sdelay $0x1  }
0xa1: {  	s23 =	simm.s32 $0x1B8B  }
0xa2: {  	_ =	swait.ge [sflag:s23], $0x1  }
0xa3: {  	[sflag:s23] =	ssyncset.done $0x0  }
0xa4: {  	s25 =	simm.s32 $0x1B8E;
	s24 =	sld [smem:$0x3FFE];
	[sflag:s23] =	ssyncadd.s32 $0xFFFFFFFF  }
0xa5: {  	s26 =	simm.s32 $execute0_lowered;
	[smem:$0x3FD2] =	sst s25  }
0xa6: {  	s4 =	sshll.u32 s26, $0x1;
	_ =	strace $0x80000046;
	[dreg:$0x1] =	wrdreg $0xFFFFFFFF  }
0xa7: {  	s28 =	simm.s32 $_size_execute0_lowered;
	s2 =	sadd.s32 s2, s4;
	[dreg:$0x0] =	wrdreg $0x0  }
0xa8: {  	s4 =	sshll.u32 s28, $0x1;
	[dreg:$0x2] =	wrdreg s2  }
0xa9: {  	[dreg:$0x3] =	wrdreg s4  }
0xaa: {  	[dreg:$0x4] =	wrdreg $0xC0  }
0xab: {  	_ =	task [dreg:s6], $0x5FFFF  }
0xac: {  	[dreg:$0x1] =	wrdreg $0xFFFFFFFF  }
0xad: {  	[dreg:$0x0] =	wrdreg $0x60  }
0xae: {  	[dreg:$0x2] =	wrdreg s24  }
0xaf: {  	[dreg:$0x3] =	wrdreg $0x9  }
0xb0: {  	_ =	task.clear_ibuf [dreg:s6], $0x4FFFF;
	_ =	strace $0x90000046  }
0xb1: {  	s29 =	simm.s32 $0x9;
	_ =	strace $0x80000048  }
0xb2: {  	_ =	swait.ge [sflag:s29], $0x1  }
0xb3: {  	[sflag:s29] =	ssyncadd.s32 $0xFFFFFFFF  }
0xb4: {  	_ =	strace $0x90000048  }
0xb5: {  	_ =	sfence  }
0xb6: {  	s30 =	sld [smem:$0x0];
	_ =	sdelay $0x2  }
0xb7: {  	s31 =	sshll.u32 s1, $0xD;
	s1 =	sshrl.u32 s1, $0x2  }
0xb8: {  	s3 =	sand.u32 $0x4000, s31;
	s1 =	sadd.s32 s1, s30  }
0xb9: {  	s0 =	sor.u32 s3, s0;
	s1 =	sshll.u32 s1, $0x11  }
0xba: {  	s0 =	sor.u32 s1, s0  }
0xbb: {  	s0 =	sadd.s32 $0x8F2B, s0  }
0xbc: {  	[sflag:s0] =	ssyncadd.remote.s32 $0x1  }
0xbd: {  	_ =	sfence.sel $0xFFFF  }
0xbe: {  	[dreg:$0x0] =	wrdreg $0xFFFFFFFF;
	(pc) =	sbr.abs _section_cstart, $3  }
0xbf: {  	[dreg:$0x1] =	wrdreg $0xFFFFFFFF  }
0xc0: {  	_ =	task.clear_ibuf [dreg:s6], $0x2FFFF;
	_ =	strace $0x9FFFFFFF  }
0xc1: {  	(tm) =	ssettm $0x7FFFFFFF  }
tec
execute0_lowered:
.L_overlay_start_1:
0x0: {  	(tag) =	ssettag $0x1  }
0x1: {  	s0 =	srdreg.scid  }
0x2: {  	s3 =	sand.u32 $0x1, s0  }
0x3: {  	s0 =	stileid.u32;
	s4 =	smul.u32 $0x14000, s3  }
0x4: {  	s5 =	rddreg [dreg:$0x0];
	s6 =	smul.u32 $0x1400, s0  }
0x5: {  	s1 =	rddreg [dreg:$0x1];
	s2 =	simm.s32 $0x0;
	s7 =	smul.u32 $0x28000, s3  }
0x6: {  	[smem:$0x7FF] =	sst s2;
	s8 =	smul.u32 $0x2800, s0;
	s3 =	ssub.s32 $0x2, s3  }
0x7: {  	_ =	strace $0x80000047;
	s30 =	sshrl.u32 s3, $0x1;
	s4 =	sadd.s32 s6, s4  }
0x8: {  	s29 =	sadd.s32 s8, s7;
	s31 =	ssub.s32 s3, s30;
	s7 =	simm.s32 $0x1400  }
0x9: {  	s8 =	simm.s32 $0x0;
	s4 =	sshrl.u32 s4, $0x3;
	s6 =	sshrl.u32 s29, $0x3  }
0xa: {  	s4 =	sadd.s32 s4, s5;
	s5 =	sadd.s32 s6, s5;
	s6 =	simm.s32 $0x1  }
0xb: {  	v0 =	vimm.f32 $0.0e+00;
	v1 =	vimm.f32 $1.000000000e+00;
	s3 =	sadd.s32 $0xE00, s4;
	s4 =	sadd.s32 $0x5E00, s5;
	s5 =	smax.u32 s31, $0x1  }
.LBB2_1:
0xc: {  	[tilespmem:s2], [sflag:$0x1] =	stream.linear.gather [hbm4b:s3+s2], $0x1400, $0x38;
	[tilespmem:$0x3C00] =	vst v63  }
0xd: {  	_ =	swait.ge [sflag:s6], $0x1400  }
0xe: {  	[sflag:s6] =	ssyncset.done $0x0  }
0xf: {  	s9 =	simm.s32 $0x0;
	s10 =	simm.s32 $0x0;
	[sflag:s6] =	ssyncadd.s32 $0xFFFFEC00  }
.LBB2_2:
0x10: {  	p0 =	sne.s32 s10, $0x9FC0  }
.Ltmp0:
0x11: {  	_ = 	snop;
	(pc) =	sbr.rel @p0 .LBB2_2-.Ltmp0, $4  }
0x12: {  	s11 =	sand.u32 $0xFE00, s10  }
0x13: {  	s12 =	sand.u32 $0x70, s9;
	s11 =	sshrl.u32 s11, $0x2  }
0x14: {  	s11 =	sor.u32 s12, s11  }
0x15: {  	s9 =	sadd.s32 $0x10, s9;
	s10 =	sadd.s32 $0x40, s10;
	[tilespmem:s11+$0x1400] =	vst v0  }
0x16: {  	s9 =	simm.s32 $0x0  }
0x17: {  	s10 =	sand.u32 $0x7E00, s9  }
0x18: {  	s9 =	sand.u32 $0x70, s9;
	s10 =	sshrl.u32 s10, $0x2  }
0x19: {  	s9 =	sor.u32 s9, s10  }
0x1a: {  	v2 =	vld [tilespmem:s9+$0x0];
	_ =	sdelay $0x4  }
0x1b: {  	s11 =	simm.s32 $0x40  }
0x1c: {  	s11 =	sand.u32 $0x7E00, s11;
	s10 =	simm.s32 $0x80;
	s9 =	simm.s32 $0x10  }
.LBB2_4:
0x1d: {  	p0 =	sne.s32 s10, $0x4FC0;
	s12 =	sand.u32 $0x70, s9;
	s11 =	sshrl.u32 s11, $0x2  }
0x1e: {  	s11 =	sor.u32 s12, s11;
	[tilespmem:v2+s7+$0x0] =	vst.idx.add.f32.msk $0xffff, v1  }
0x1f: {  	v2 =	vld [tilespmem:s11+$0x0];
	_ =	sdelay $0x1  }
.Ltmp1:
0x20: {  	(pc) =	sbr.rel @p0 .LBB2_4-.Ltmp1, $2  }
0x21: {  	_ =	sdelay $0x2  }
0x22: {  	s9 =	sadd.s32 $0x10, s9;
	s11 =	sand.u32 $0x7E00, s10;
	s10 =	sadd.s32 $0x40, s10  }
0x23: {  	_ =	sdelay $0x2  }
0x24: {  	s9 =	sand.u32 $0x70, s9;
	s10 =	sshrl.u32 s11, $0x2  }
0x25: {  	[tilespmem:v2+s7+$0x0] =	vst.idx.add.f32.msk $0xffff, v1;
	s9 =	sor.u32 s9, s10  }
0x26: {  	v2 =	vld [tilespmem:s9+$0x0];
	_ =	sdelay $0x5  }
0x27: {  	s8 =	sadd.s32 $0x1, s8  }
0x28: {  	p0 =	sne.s32 s8, s5  }
.Ltmp2:
0x29: {  	[tilespmem:v2+s7+$0x0] =	vst.idx.add.f32.msk $0xffff, v1;
	(pc) =	sbr.rel @p0 .LBB2_1-.Ltmp2, $4  }
0x2a: {  	[hbm4b:s4+s2] =	stream.linear.scatter [tilespmem:s7], [sflag:$0x1], $0x2800, $0x38;
	[tilespmem:$0x3C00] =	vst v63  }
0x2b: {  	_ =	swait.ge [sflag:s6], $0x2800  }
0x2c: {  	[sflag:s6] =	ssyncset.done $0x0  }
0x2d: {  	[sflag:s6] =	ssyncadd.s32 $0xFFFFD800  }
0x2e: {  	_ =	sfence.sel $0x180000  }
0x2f: {  	[bflag:$0x0] =	sbarrier.arrive $0xFFFF  }
0x30: {  	p0 =	sne.s32 s0, $0x0;
	_ =	strace $0x90000047  }
0x31: {  	s0 =	sadd.s32 @!p0 $0x100000, s1;
	[bflag:$0x2] =	sbarrier.arrive $0xFFFF  }
0x32: {  	[sflag:s0] =	ssyncadd.tile.s32 @!p0 $0x1;
	_ =	shalt  }
.Lfunc_end2:
_tile_overlayer_lowered:
.L_overlay_start_2:
0x33: {  	(tag) =	ssettag $0x2  }
0x34: {  	s0 =	rddreg [dreg:$0x0];
	s2 =	stileid.u32  }
0x35: {  	s1 =	rddreg [dreg:$0x1];
	p0 =	sne.s32 s2, $0x0  }
0x36: {  	s3 =	rddreg [dreg:$0x2];
	[bflag:$0x3] =	sbarrier.arrive $0xFFFF;
	s2 =	simm.s32 @!p0 $0x1C01  }
0x37: {  	[timem:s3], [sflag:s2] =	dma.local @!p0 [hbm:s0], s1  }
0x38: {  	s0 =	simm.s32 @!p0 $0x1  }
0x39: {  	_ =	swait.ge @!p0 [sflag:s0], s1  }
0x3a: {  	s1 =	ssub.s32 @!p0 $0x0, s1;
	[sflag:s0] =	ssyncset.done @!p0 $0x0  }
0x3b: {  	[sflag:s0] =	ssyncadd.s32 @!p0 s1  }
0x3c: {  	[bflag:$0x3] =	sbarrier.arrive $0xFFFF  }
0x3d: {  	_ =	shalt  }

</sc_bundles>
